<compile_context>
chip_gen: v7x
topology: tpu7x:2x2x1
jax: 0.10.2.dev20260603
libtpu: 0.0.44.dev20260713+nightly
codegen_flags: <defaults>
</compile_context>

<pallas_src>
import functools

import jax
import jax.numpy as jnp
from jax import lax
from jax.experimental import pallas as pl
from jax.experimental.pallas import tpu as pltpu
from jax.experimental.pallas import tpu_sc as plsc

N_NODES = 10000
N_EDGES = 320000
NFEAT = 128
NHID = 128
NCLASS = 10
NUM_GRAPHS = 64

NT = 32
CPT = NHID // NT
CH = 2000
NCHUNK = N_EDGES // CH
GPC = CH // 16



def _pre_body(x_ref, fcW_ref, W_ref, asrc_ref, adst_ref,
              hid_t_ref, hw_t_ref, s_ref, t_ref):
    hid_t = lax.dot_general(fcW_ref[...], x_ref[...],
                            (((0,), (1,)), ((), ())),
                            preferred_element_type=jnp.float32)
    hid_t_ref[...] = hid_t
    hw_t = lax.dot_general(W_ref[...], hid_t,
                           (((0,), (0,)), ((), ())),
                           preferred_element_type=jnp.float32)
    hw_t_ref[...] = hw_t
    s_ref[...] = lax.dot_general(asrc_ref[...], hw_t,
                                 (((1,), (0,)), ((), ())),
                                 preferred_element_type=jnp.float32)
    t_ref[...] = lax.dot_general(adst_ref[...], hw_t,
                                 (((1,), (0,)), ((), ())),
                                 preferred_element_type=jnp.float32)


def _mid_body(out0_ref, b0_ref, W1_ref, asrc_ref, adst_ref,
              h1_t_ref, hw_t_ref, s_ref, t_ref):
    v = out0_ref[...] + b0_ref[...]
    h1 = jnp.where(v > 0.0, v, jnp.exp(jnp.minimum(v, 0.0)) - 1.0)
    h1_t_ref[...] = h1
    hw_t = lax.dot_general(W1_ref[...], h1,
                           (((0,), (0,)), ((), ())),
                           preferred_element_type=jnp.float32)
    hw_t_ref[...] = hw_t
    s_ref[...] = lax.dot_general(asrc_ref[...], hw_t,
                                 (((1,), (0,)), ((), ())),
                                 preferred_element_type=jnp.float32)
    t_ref[...] = lax.dot_general(adst_ref[...], hw_t,
                                 (((1,), (0,)), ((), ())),
                                 preferred_element_type=jnp.float32)


def _bn(h, g, b):
    mu = jnp.mean(h, axis=0, keepdims=True)
    var = jnp.mean((h - mu) * (h - mu), axis=0, keepdims=True)
    return (h - mu) * lax.rsqrt(var + 1e-5) * g + b


def _readout_body(batch_ref, x_ref, h1_ref, out1_ref, b1_ref,
                  bn0g_ref, bn0b_ref, bn1g_ref, bn1b_ref, bn2g_ref, bn2b_ref,
                  lp0W_ref, lp0b_ref, lp1W_ref, lp1b_ref, lp2W_ref, lp2b_ref,
                  linW_ref, linb_ref, out_ref):
    oh = (lax.broadcasted_iota(jnp.int32, (NUM_GRAPHS, N_NODES), 0)
          == batch_ref[...]).astype(jnp.float32)
    cnt = jnp.maximum(jnp.sum(oh, axis=1, keepdims=True), 1.0)
    p0 = jnp.dot(oh, x_ref[...], preferred_element_type=jnp.float32) / cnt
    p1 = lax.dot_general(oh, h1_ref[...], (((1,), (1,)), ((), ())),
                         preferred_element_type=jnp.float32) / cnt
    h2 = out1_ref[...] + b1_ref[...]
    p2 = lax.dot_general(oh, h2, (((1,), (1,)), ((), ())),
                         preferred_element_type=jnp.float32) / cnt
    score = jnp.maximum(
        jnp.dot(_bn(p0, bn0g_ref[...], bn0b_ref[...]), lp0W_ref[...],
                preferred_element_type=jnp.float32) + lp0b_ref[...], 0.0)
    score = score + jnp.maximum(
        jnp.dot(_bn(p1, bn1g_ref[...], bn1b_ref[...]), lp1W_ref[...],
                preferred_element_type=jnp.float32) + lp1b_ref[...], 0.0)
    score = score + jnp.maximum(
        jnp.dot(_bn(p2, bn2g_ref[...], bn2b_ref[...]), lp2W_ref[...],
                preferred_element_type=jnp.float32) + lp2b_ref[...], 0.0)
    logits = jnp.dot(score, linW_ref[...],
                     preferred_element_type=jnp.float32) + linb_ref[...]
    m = jnp.max(logits, axis=1, keepdims=True)
    z = logits - m
    out_ref[...] = z - jnp.log(jnp.sum(jnp.exp(z), axis=1, keepdims=True))


_F32 = jnp.float32


def _pre_call(x, fc_W, W, asrc, adst):
    return pl.pallas_call(
        _pre_body,
        out_shape=[
            jax.ShapeDtypeStruct((NHID, N_NODES), _F32),
            jax.ShapeDtypeStruct((NHID, N_NODES), _F32),
            jax.ShapeDtypeStruct((1, N_NODES), _F32),
            jax.ShapeDtypeStruct((1, N_NODES), _F32),
        ],
    )(x, fc_W, W, asrc.reshape(1, NHID), adst.reshape(1, NHID))


def _mid_call(out0_t, b0, W1, asrc, adst):
    return pl.pallas_call(
        _mid_body,
        out_shape=[
            jax.ShapeDtypeStruct((NHID, N_NODES), _F32),
            jax.ShapeDtypeStruct((NHID, N_NODES), _F32),
            jax.ShapeDtypeStruct((1, N_NODES), _F32),
            jax.ShapeDtypeStruct((1, N_NODES), _F32),
        ],
    )(out0_t, b0.reshape(NHID, 1), W1, asrc.reshape(1, NHID),
      adst.reshape(1, NHID))


def _readout_call(batch, x, h1_t, out1_t, b1, bn0g, bn0b, bn1g, bn1b,
                  bn2g, bn2b, lp0W, lp0b, lp1W, lp1b, lp2W, lp2b,
                  linW, linb):
    return pl.pallas_call(
        _readout_body,
        out_shape=jax.ShapeDtypeStruct((NUM_GRAPHS, NCLASS), _F32),
    )(batch.reshape(1, N_NODES), x, h1_t, out1_t, b1.reshape(NHID, 1),
      bn0g.reshape(1, NFEAT), bn0b.reshape(1, NFEAT),
      bn1g.reshape(1, NHID), bn1b.reshape(1, NHID),
      bn2g.reshape(1, NHID), bn2b.reshape(1, NHID),
      lp0W, lp0b.reshape(1, NHID), lp1W, lp1b.reshape(1, NHID),
      lp2W, lp2b.reshape(1, NHID),
      linW, linb.reshape(1, NCLASS))



_MESH = plsc.VectorSubcoreMesh(core_axis_name="c", subcore_axis_name="s")


@functools.partial(
    pl.kernel,
    mesh=_MESH,
    compiler_params=pltpu.CompilerParams(
        use_tc_tiling_on_sc=False, needs_layout_passes=False),
    out_type=jax.ShapeDtypeStruct((NHID, N_NODES), _F32),
    scratch_types=[
        pltpu.VMEM((N_NODES,), _F32),
        pltpu.VMEM((N_NODES,), _F32),
        pltpu.VMEM((N_NODES,), _F32),
        pltpu.VMEM((CPT, N_NODES), _F32),
        pltpu.VMEM((CPT, N_NODES), _F32),
        pltpu.VMEM((CH,), jnp.int32),
        pltpu.VMEM((CH,), jnp.int32),
    ],
)
def _conv_edges(hw_t, s_hbm, t_hbm, src_hbm, dst_hbm, out_hbm,
                s_v, t_v, d_v, hw_v, o_v, src_v, dst_v):
    cid = lax.axis_index("c")
    sid = lax.axis_index("s")
    wid = sid * 2 + cid
    base = pl.multiple_of(wid * CPT, CPT)
    pltpu.sync_copy(s_hbm, s_v)
    pltpu.sync_copy(t_hbm, t_v)
    pltpu.sync_copy(hw_t.at[pl.ds(base, CPT)], hw_v)

    zeros16 = jnp.zeros((16,), _F32)

    def zero_body(i, _):
        off = pl.multiple_of(i * 16, 16)
        d_v[pl.ds(off, 16)] = zeros16
        for r in range(CPT):
            o_v[r, pl.ds(off, 16)] = zeros16
        return 0

    lax.fori_loop(0, N_NODES // 16, zero_body, 0)

    def edge_e(g):
        off = pl.multiple_of(g * 16, 16)
        i16s = src_v[pl.ds(off, 16)]
        i16d = dst_v[pl.ds(off, 16)]
        sv = plsc.load_gather(s_v, [i16s])
        tv = plsc.load_gather(t_v, [i16d])
        e = sv + tv
        e = jnp.where(e >= 0.0, e, 0.2 * e)
        return i16s, i16d, jnp.exp(e)

    def denom_chunk(ci, _):
        cbase = pl.multiple_of(ci * CH, 8)
        pltpu.sync_copy(src_hbm.at[pl.ds(cbase, CH)], src_v)
        pltpu.sync_copy(dst_hbm.at[pl.ds(cbase, CH)], dst_v)

        def g_body(g, _):
            _, i16d, ee = edge_e(g)
            plsc.addupdate_scatter(d_v, [i16d], ee)
            return 0

        lax.fori_loop(0, GPC, g_body, 0)
        return 0

    lax.fori_loop(0, NCHUNK, denom_chunk, 0)

    def out_chunk(ci, _):
        cbase = pl.multiple_of(ci * CH, 8)
        pltpu.sync_copy(src_hbm.at[pl.ds(cbase, CH)], src_v)
        pltpu.sync_copy(dst_hbm.at[pl.ds(cbase, CH)], dst_v)

        def g_body(g, _):
            i16s, i16d, ee = edge_e(g)
            dg = plsc.load_gather(d_v, [i16d])
            att = ee / (dg + 1e-16)
            for r in range(CPT):
                ridx = jnp.full((16,), r, jnp.int32)
                hv = plsc.load_gather(hw_v, [ridx, i16s])
                plsc.addupdate_scatter(o_v, [ridx, i16d], hv * att)
            return 0

        lax.fori_loop(0, GPC, g_body, 0)
        return 0

    lax.fori_loop(0, NCHUNK, out_chunk, 0)

    pltpu.sync_copy(o_v, out_hbm.at[pl.ds(base, CPT)])



def kernel(x, edge_index, batch, fc_W, c0_W, c0_asrc, c0_adst, c0_b,
           c1_W, c1_asrc, c1_adst, c1_b, lp0_W, lp0_b, lp1_W, lp1_b,
           lp2_W, lp2_b, bn0_g, bn0_b, bn1_g, bn1_b, bn2_g, bn2_b,
           lin_W, lin_b):
    src = edge_index[0]
    dst = edge_index[1]
    hid_t, hw0_t, s0, t0 = _pre_call(x, fc_W, c0_W, c0_asrc, c0_adst)
    out0_t = _conv_edges(hw0_t, s0.reshape(-1), t0.reshape(-1), src, dst)
    h1_t, hw1_t, s1, t1 = _mid_call(out0_t, c0_b, c1_W, c1_asrc, c1_adst)
    out1_t = _conv_edges(hw1_t, s1.reshape(-1), t1.reshape(-1), src, dst)
    return _readout_call(batch, x, h1_t, out1_t, c1_b,
                         bn0_g, bn0_b, bn1_g, bn1_b, bn2_g, bn2_b,
                         lp0_W, lp0_b, lp1_W, lp1_b, lp2_W, lp2_b,
                         lin_W, lin_b)

# --- scband reference (transcript-rebuilt; emitter-appended) ---
"""Pipeline reference for scband-non-linear-gat-42150809043013 (READ-ONLY COPY).

The authoritative reference and input builder live on the scoring server;
editing this copy changes nothing except your own understanding.
"""

import jax, jax.numpy as jnp
import numpy as np

N_NODES = 10000
N_EDGES = 320000
NFEAT = 128
NHID = 128
NCLASS = 10
NUM_GRAPHS = 64


def setup_inputs(seed: int = 0):
    key = jax.random.key(seed)
    ks = jax.random.split(key, 32)
    def lin(k, fi, fo):
        return (jax.random.normal(k, (fi, fo), dtype=jnp.float32) * (1.0 / np.sqrt(fi)))
    def vec(k, d):
        return jax.random.normal(k, (d,), dtype=jnp.float32) * 0.1
    inp = {}
    inp['x'] = jax.random.normal(ks[0], (N_NODES, NFEAT), dtype=jnp.float32)
    inp['edge_index'] = jax.random.randint(ks[1], (2, N_EDGES), 0, N_NODES, dtype=jnp.int32)
    inp['batch'] = jnp.sort(jax.random.randint(ks[2], (N_NODES,), 0, NUM_GRAPHS, dtype=jnp.int32))
    inp['fc_W'] = lin(ks[3], NFEAT, NHID)
    inp['c0_W'] = lin(ks[4], NHID, NHID)
    inp['c0_asrc'] = vec(ks[5], NHID)
    inp['c0_adst'] = vec(ks[6], NHID)
    inp['c0_b'] = jnp.zeros((NHID,), dtype=jnp.float32)
    inp['c1_W'] = lin(ks[7], NHID, NHID)
    inp['c1_asrc'] = vec(ks[8], NHID)
    inp['c1_adst'] = vec(ks[9], NHID)
    inp['c1_b'] = jnp.zeros((NHID,), dtype=jnp.float32)
    inp['lp0_W'] = lin(ks[10], NFEAT, NHID)
    inp['lp0_b'] = jnp.zeros((NHID,), dtype=jnp.float32)
    inp['lp1_W'] = lin(ks[11], NHID, NHID)
    inp['lp1_b'] = jnp.zeros((NHID,), dtype=jnp.float32)
    inp['lp2_W'] = lin(ks[12], NHID, NHID)
    inp['lp2_b'] = jnp.zeros((NHID,), dtype=jnp.float32)
    inp['bn0_g'] = jnp.ones((NFEAT,), dtype=jnp.float32)
    inp['bn0_b'] = jnp.zeros((NFEAT,), dtype=jnp.float32)
    inp['bn1_g'] = jnp.ones((NHID,), dtype=jnp.float32)
    inp['bn1_b'] = jnp.zeros((NHID,), dtype=jnp.float32)
    inp['bn2_g'] = jnp.ones((NHID,), dtype=jnp.float32)
    inp['bn2_b'] = jnp.zeros((NHID,), dtype=jnp.float32)
    inp['lin_W'] = lin(ks[13], NHID, NCLASS)
    inp['lin_b'] = jnp.zeros((NCLASS,), dtype=jnp.float32)
    return inp


def _mean_pool(h, batch):
    s = jax.ops.segment_sum(h, batch, num_segments=NUM_GRAPHS)
    cnt = jax.ops.segment_sum(jnp.ones((h.shape[0], 1), dtype=h.dtype), batch, num_segments=NUM_GRAPHS)
    return s / jnp.maximum(cnt, 1.0)


def _bn(h, g, b, eps=1e-5):
    mu = jnp.mean(h, axis=0)
    var = jnp.var(h, axis=0)
    return (h - mu) / jnp.sqrt(var + eps) * g + b


def _gat_conv(h, src, dst, W, asrc, adst, b, nonlinear):
    hw = h @ W
    e = hw[src] @ asrc + hw[dst] @ adst
    e = jax.nn.leaky_relu(e, negative_slope=0.2)
    emax = jax.ops.segment_max(e, dst, num_segments=N_NODES)
    ee = jnp.exp(e - emax[dst])
    denom = jax.ops.segment_sum(ee, dst, num_segments=N_NODES)
    att = ee / (denom[dst] + 1e-16)
    out = jax.ops.segment_sum(att[:, None] * hw[src], dst, num_segments=N_NODES) + b
    if nonlinear:
        out = jax.nn.elu(out)
    return out


def reference(x, edge_index, batch, fc_W, c0_W, c0_asrc, c0_adst, c0_b, c1_W, c1_asrc, c1_adst, c1_b, lp0_W, lp0_b, lp1_W, lp1_b, lp2_W, lp2_b, bn0_g, bn0_b, bn1_g, bn1_b, bn2_g, bn2_b, lin_W, lin_b):
    src = edge_index[0]
    dst = edge_index[1]
    outs = [_mean_pool(x, batch)]
    hid = x @ fc_W
    hid = _gat_conv(hid, src, dst, c0_W, c0_asrc, c0_adst, c0_b, True)
    outs.append(_mean_pool(hid, batch))
    hid = _gat_conv(hid, src, dst, c1_W, c1_asrc, c1_adst, c1_b, False)
    outs.append(_mean_pool(hid, batch))
    lps = [(lp0_W, lp0_b), (lp1_W, lp1_b), (lp2_W, lp2_b)]
    bns = [(bn0_g, bn0_b), (bn1_g, bn1_b), (bn2_g, bn2_b)]
    score = jnp.zeros((NUM_GRAPHS, NHID), dtype=jnp.float32)
    for h, (g, bb), (W, b) in zip(outs, bns, lps):
        hn = _bn(h, g, bb)
        score = score + jax.nn.relu(hn @ W + b)
    logits = score @ lin_W + lin_b
    return jax.nn.log_softmax(logits, axis=-1)

if __name__ == "__main__":
    import jax
    _d = setup_inputs()
    print(jax.jit(kernel)(*tuple(_d.values())))

</pallas_src>

<mosaic_0001>
#map = affine_map<(d0, d1) -> (0, 0)>
#map1 = affine_map<(d0, d1) -> (0)>
module attributes {stable_mosaic.version = 14 : i64} {
  func.func @_conv_edges(%arg0: i32, %arg1: i32, %arg2: memref<128x10000xf32, #tpu.memory_space<hbm>>, %arg3: memref<10000xf32, #tpu.memory_space<hbm>>, %arg4: memref<10000xf32, #tpu.memory_space<hbm>>, %arg5: memref<320000xi32, #tpu.memory_space<hbm>>, %arg6: memref<320000xi32, #tpu.memory_space<hbm>>, %arg7: memref<128x10000xf32, #tpu.memory_space<hbm>>, %arg8: memref<10000xf32, #tpu.memory_space<vmem>>, %arg9: memref<10000xf32, #tpu.memory_space<vmem>>, %arg10: memref<10000xf32, #tpu.memory_space<vmem>>, %arg11: memref<4x10000xf32, #tpu.memory_space<vmem>>, %arg12: memref<4x10000xf32, #tpu.memory_space<vmem>>, %arg13: memref<2000xi32, #tpu.memory_space<vmem>>, %arg14: memref<2000xi32, #tpu.memory_space<vmem>>) attributes {dimension_semantics = [#tpu.dimension_semantics<core_parallel>, #tpu.dimension_semantics<subcore_parallel>], iteration_bounds = array<i64: 2, 16>, scalar_prefetch = 0 : i64, scratch_operands = 7 : i64, tpu.core_type = #tpu.core_type<sc_vector_subcore>, window_params = [{transform_indices = #map}, {transform_indices = #map1}, {transform_indices = #map1}, {transform_indices = #map1}, {transform_indices = #map1}, {transform_indices = #map}]} {
    %mul3A = arith.constant 2 : i32
    %mul3A_0 = arith.muli %arg1, %mul3A : i32
    %add3A = arith.addi %mul3A_0, %arg0 : i32
    %mul3A_1 = arith.constant 4 : i32
    %mul3A_2 = arith.muli %add3A, %mul3A_1 : i32
    %multiple_of3A = tpu.assume_multiple %mul3A_2, 4 : i32
    "tpu.region"() ({
      %run_scoped3A = tpu.sem_alloc : memref<!tpu.dma_semaphore, #tpu.memory_space<semaphore_mem>>
      tpu.enqueue_dma source(%arg3 : memref<10000xf32, #tpu.memory_space<hbm>>) target(%arg8 : memref<10000xf32, #tpu.memory_space<vmem>>) target_semaphore(%run_scoped3A : memref<!tpu.dma_semaphore, #tpu.memory_space<semaphore_mem>>)
      tpu.wait_dma2 semaphore(%run_scoped3A : memref<!tpu.dma_semaphore, #tpu.memory_space<semaphore_mem>>) src(%arg3 : memref<10000xf32, #tpu.memory_space<hbm>>) dst(%arg8 : memref<10000xf32, #tpu.memory_space<vmem>>)
      tpu.yield
    }) : () -> ()
    "tpu.region"() ({
      %run_scoped3A = tpu.sem_alloc : memref<!tpu.dma_semaphore, #tpu.memory_space<semaphore_mem>>
      tpu.enqueue_dma source(%arg4 : memref<10000xf32, #tpu.memory_space<hbm>>) target(%arg9 : memref<10000xf32, #tpu.memory_space<vmem>>) target_semaphore(%run_scoped3A : memref<!tpu.dma_semaphore, #tpu.memory_space<semaphore_mem>>)
      tpu.wait_dma2 semaphore(%run_scoped3A : memref<!tpu.dma_semaphore, #tpu.memory_space<semaphore_mem>>) src(%arg4 : memref<10000xf32, #tpu.memory_space<hbm>>) dst(%arg9 : memref<10000xf32, #tpu.memory_space<vmem>>)
      tpu.yield
    }) : () -> ()
    "tpu.region"() ({
      %run_scoped3A = tpu.sem_alloc : memref<!tpu.dma_semaphore, #tpu.memory_space<semaphore_mem>>
      %dma_start3A = arith.constant 0 : i32
      %dma_start3A_24 = tpu.memref_slice %arg2[%multiple_of3A, %dma_start3A] : memref<128x10000xf32, #tpu.memory_space<hbm>> -> memref<4x10000xf32, #tpu.memory_space<hbm>>
      %dma_start3A_25 = arith.constant 0 : i32
      %dma_start3A_26 = tpu.memref_slice %arg2[%multiple_of3A, %dma_start3A_25] : memref<128x10000xf32, #tpu.memory_space<hbm>> -> memref<4x10000xf32, #tpu.memory_space<hbm>>
      tpu.enqueue_dma source(%dma_start3A_26 : memref<4x10000xf32, #tpu.memory_space<hbm>>) target(%arg11 : memref<4x10000xf32, #tpu.memory_space<vmem>>) target_semaphore(%run_scoped3A : memref<!tpu.dma_semaphore, #tpu.memory_space<semaphore_mem>>)
      %dma_wait3A = arith.constant 0 : i32
      %dma_wait3A_27 = tpu.memref_slice %arg2[%multiple_of3A, %dma_wait3A] : memref<128x10000xf32, #tpu.memory_space<hbm>> -> memref<4x10000xf32, #tpu.memory_space<hbm>>
      %dma_wait3A_28 = arith.constant 0 : i32
      %dma_wait3A_29 = tpu.memref_slice %arg2[%multiple_of3A, %dma_wait3A_28] : memref<128x10000xf32, #tpu.memory_space<hbm>> -> memref<4x10000xf32, #tpu.memory_space<hbm>>
      tpu.wait_dma2 semaphore(%run_scoped3A : memref<!tpu.dma_semaphore, #tpu.memory_space<semaphore_mem>>) src(%dma_wait3A_29 : memref<4x10000xf32, #tpu.memory_space<hbm>>) dst(%arg11 : memref<4x10000xf32, #tpu.memory_space<vmem>>)
      tpu.yield
    }) : () -> ()
    %broadcast_in_dim3A = arith.constant 0.000000e+00 : f32
    %broadcast_in_dim3A_3 = vector.broadcast %broadcast_in_dim3A : f32 to vector<16xf32>
    %scan3A = arith.constant 0 : i32
    %scan3A_4 = arith.constant 0 : i32
    %scan3A_5 = arith.constant 625 : i32
    %scan3A_6 = arith.addi %scan3A_4, %scan3A_5 : i32
    %scan3A_7 = arith.constant 1 : i32
    %scan3A_8 = scf.for %scan3A_24 = %scan3A_4 to %scan3A_6 step %scan3A_7 iter_args(%scan3A_25 = %scan3A) -> (i32)  : i32 {
      %mul3A_26 = arith.constant 16 : i32
      %mul3A_27 = arith.muli %scan3A_24, %mul3A_26 : i32
      %multiple_of3A_28 = tpu.assume_multiple %mul3A_27, 16 : i32
      %swap3A = arith.index_cast %multiple_of3A_28 : i32 to index
      %swap3A_29 = tpu.vector_load %arg10[%swap3A] {strides = array<i32>} : memref<10000xf32, #tpu.memory_space<vmem>>, vector<16xf32>,
      tpu.vector_store %arg10[%swap3A], %broadcast_in_dim3A_3 {strides = array<i32>} : memref<10000xf32, #tpu.memory_space<vmem>>, vector<16xf32>,
      %swap3A_30 = arith.constant 0 : i32
      %swap3A_31 = arith.index_cast %swap3A_30 : i32 to index
      %swap3A_32 = arith.index_cast %multiple_of3A_28 : i32 to index
      %swap3A_33 = tpu.vector_load %arg12[%swap3A_31, %swap3A_32] {strides = array<i32>} : memref<4x10000xf32, #tpu.memory_space<vmem>>, vector<16xf32>,
      tpu.vector_store %arg12[%swap3A_31, %swap3A_32], %broadcast_in_dim3A_3 {strides = array<i32>} : memref<4x10000xf32, #tpu.memory_space<vmem>>, vector<16xf32>,
      %swap3A_34 = arith.constant 1 : i32
      %swap3A_35 = arith.index_cast %swap3A_34 : i32 to index
      %swap3A_36 = arith.index_cast %multiple_of3A_28 : i32 to index
      %swap3A_37 = tpu.vector_load %arg12[%swap3A_35, %swap3A_36] {strides = array<i32>} : memref<4x10000xf32, #tpu.memory_space<vmem>>, vector<16xf32>,
      tpu.vector_store %arg12[%swap3A_35, %swap3A_36], %broadcast_in_dim3A_3 {strides = array<i32>} : memref<4x10000xf32, #tpu.memory_space<vmem>>, vector<16xf32>,
      %swap3A_38 = arith.constant 2 : i32
      %swap3A_39 = arith.index_cast %swap3A_38 : i32 to index
      %swap3A_40 = arith.index_cast %multiple_of3A_28 : i32 to index
      %swap3A_41 = tpu.vector_load %arg12[%swap3A_39, %swap3A_40] {strides = array<i32>} : memref<4x10000xf32, #tpu.memory_space<vmem>>, vector<16xf32>,
      tpu.vector_store %arg12[%swap3A_39, %swap3A_40], %broadcast_in_dim3A_3 {strides = array<i32>} : memref<4x10000xf32, #tpu.memory_space<vmem>>, vector<16xf32>,
      %swap3A_42 = arith.constant 3 : i32
      %swap3A_43 = arith.index_cast %swap3A_42 : i32 to index
      %swap3A_44 = arith.index_cast %multiple_of3A_28 : i32 to index
      %swap3A_45 = tpu.vector_load %arg12[%swap3A_43, %swap3A_44] {strides = array<i32>} : memref<4x10000xf32, #tpu.memory_space<vmem>>, vector<16xf32>,
      tpu.vector_store %arg12[%swap3A_43, %swap3A_44], %broadcast_in_dim3A_3 {strides = array<i32>} : memref<4x10000xf32, #tpu.memory_space<vmem>>, vector<16xf32>,
      %scan3A_46 = arith.constant 0 : i32
      scf.yield %scan3A_46 : i32
    }
    %scan3A_9 = arith.constant 625 : i32
    %scan3A_10 = arith.constant 0 : i32
    %scan3A_11 = arith.constant 0 : i32
    %scan3A_12 = arith.constant 160 : i32
    %scan3A_13 = arith.addi %scan3A_11, %scan3A_12 : i32
    %scan3A_14 = arith.constant 1 : i32
    %scan3A_15 = scf.for %scan3A_24 = %scan3A_11 to %scan3A_13 step %scan3A_14 iter_args(%scan3A_25 = %scan3A_10) -> (i32)  : i32 {
      %mul3A_26 = arith.constant 2000 : i32
      %mul3A_27 = arith.muli %scan3A_24, %mul3A_26 : i32
      %multiple_of3A_28 = tpu.assume_multiple %mul3A_27, 8 : i32
      "tpu.region"() ({
        %run_scoped3A = tpu.sem_alloc : memref<!tpu.dma_semaphore, #tpu.memory_space<semaphore_mem>>
        %dma_start3A = tpu.memref_slice %arg5[%multiple_of3A_28] : memref<320000xi32, #tpu.memory_space<hbm>> -> memref<2000xi32, #tpu.memory_space<hbm>>
        %dma_start3A_37 = tpu.memref_slice %arg5[%multiple_of3A_28] : memref<320000xi32, #tpu.memory_space<hbm>> -> memref<2000xi32, #tpu.memory_space<hbm>>
        tpu.enqueue_dma source(%dma_start3A_37 : memref<2000xi32, #tpu.memory_space<hbm>>) target(%arg13 : memref<2000xi32, #tpu.memory_space<vmem>>) target_semaphore(%run_scoped3A : memref<!tpu.dma_semaphore, #tpu.memory_space<semaphore_mem>>)
        %dma_wait3A = tpu.memref_slice %arg5[%multiple_of3A_28] : memref<320000xi32, #tpu.memory_space<hbm>> -> memref<2000xi32, #tpu.memory_space<hbm>>
        %dma_wait3A_38 = tpu.memref_slice %arg5[%multiple_of3A_28] : memref<320000xi32, #tpu.memory_space<hbm>> -> memref<2000xi32, #tpu.memory_space<hbm>>
        tpu.wait_dma2 semaphore(%run_scoped3A : memref<!tpu.dma_semaphore, #tpu.memory_space<semaphore_mem>>) src(%dma_wait3A_38 : memref<2000xi32, #tpu.memory_space<hbm>>) dst(%arg13 : memref<2000xi32, #tpu.memory_space<vmem>>)
        tpu.yield
      }) : () -> ()
      "tpu.region"() ({
        %run_scoped3A = tpu.sem_alloc : memref<!tpu.dma_semaphore, #tpu.memory_space<semaphore_mem>>
        %dma_start3A = tpu.memref_slice %arg6[%multiple_of3A_28] : memref<320000xi32, #tpu.memory_space<hbm>> -> memref<2000xi32, #tpu.memory_space<hbm>>
        %dma_start3A_37 = tpu.memref_slice %arg6[%multiple_of3A_28] : memref<320000xi32, #tpu.memory_space<hbm>> -> memref<2000xi32, #tpu.memory_space<hbm>>
        tpu.enqueue_dma source(%dma_start3A_37 : memref<2000xi32, #tpu.memory_space<hbm>>) target(%arg14 : memref<2000xi32, #tpu.memory_space<vmem>>) target_semaphore(%run_scoped3A : memref<!tpu.dma_semaphore, #tpu.memory_space<semaphore_mem>>)
        %dma_wait3A = tpu.memref_slice %arg6[%multiple_of3A_28] : memref<320000xi32, #tpu.memory_space<hbm>> -> memref<2000xi32, #tpu.memory_space<hbm>>
        %dma_wait3A_38 = tpu.memref_slice %arg6[%multiple_of3A_28] : memref<320000xi32, #tpu.memory_space<hbm>> -> memref<2000xi32, #tpu.memory_space<hbm>>
        tpu.wait_dma2 semaphore(%run_scoped3A : memref<!tpu.dma_semaphore, #tpu.memory_space<semaphore_mem>>) src(%dma_wait3A_38 : memref<2000xi32, #tpu.memory_space<hbm>>) dst(%arg14 : memref<2000xi32, #tpu.memory_space<vmem>>)
        tpu.yield
      }) : () -> ()
      %scan3A_29 = arith.constant 0 : i32
      %scan3A_30 = arith.constant 0 : i32
      %scan3A_31 = arith.constant 125 : i32
      %scan3A_32 = arith.addi %scan3A_30, %scan3A_31 : i32
      %scan3A_33 = arith.constant 1 : i32
      %scan3A_34 = scf.for %scan3A_37 = %scan3A_30 to %scan3A_32 step %scan3A_33 iter_args(%scan3A_38 = %scan3A_29) -> (i32)  : i32 {
        %mul3A_39 = arith.constant 16 : i32
        %mul3A_40 = arith.muli %scan3A_37, %mul3A_39 : i32
        %multiple_of3A_41 = tpu.assume_multiple %mul3A_40, 16 : i32
        %get3A = arith.index_cast %multiple_of3A_41 : i32 to index
        %get3A_42 = tpu.vector_load %arg13[%get3A] {strides = array<i32>} : memref<2000xi32, #tpu.memory_space<vmem>>, vector<16xi32>,
        %get3A_43 = arith.index_cast %multiple_of3A_41 : i32 to index
        %get3A_44 = tpu.vector_load %arg14[%get3A_43] {strides = array<i32>} : memref<2000xi32, #tpu.memory_space<vmem>>, vector<16xi32>,
        %gather3A = tpu.vector_load_idx %arg8[%get3A_42] : memref<10000xf32, #tpu.memory_space<vmem>>[vector<16xi32>], vector<16xf32>,
        %gather3A_45 = tpu.vector_load_idx %arg9[%get3A_44] : memref<10000xf32, #tpu.memory_space<vmem>>[vector<16xi32>], vector<16xf32>,
        %add3A_46 = arith.addf %gather3A, %gather3A_45 : vector<16xf32>
        %ge3A = arith.constant 0.000000e+00 : f32
        %ge3A_47 = vector.broadcast %ge3A : f32 to vector<16xf32>
        %ge3A_48 = arith.cmpf oge, %add3A_46, %ge3A_47 : vector<16xf32>
        %mul3A_49 = arith.constant 2.000000e-01 : f32
        %mul3A_50 = vector.broadcast %mul3A_49 : f32 to vector<16xf32>
        %mul3A_51 = arith.mulf %mul3A_50, %add3A_46 : vector<16xf32>
        %select_n3A = arith.select %ge3A_48, %add3A_46, %mul3A_51 : vector<16xi1>, vector<16xf32>
        %exp3A = math.exp %select_n3A : vector<16xf32>
        tpu.vector_store_idx %arg10[%get3A_44], %exp3A {add = true} : memref<10000xf32, #tpu.memory_space<vmem>>[vector<16xi32>], vector<16xf32>,
        %scan3A_52 = arith.constant 0 : i32
        scf.yield %scan3A_52 : i32
      }
      %scan3A_35 = arith.constant 125 : i32
      %scan3A_36 = arith.constant 0 : i32
      scf.yield %scan3A_36 : i32
    }
    %scan3A_16 = arith.constant 160 : i32
    %scan3A_17 = arith.constant 0 : i32
    %scan3A_18 = arith.constant 0 : i32
    %scan3A_19 = arith.constant 160 : i32
    %scan3A_20 = arith.addi %scan3A_18, %scan3A_19 : i32
    %scan3A_21 = arith.constant 1 : i32
    %scan3A_22 = scf.for %scan3A_24 = %scan3A_18 to %scan3A_20 step %scan3A_21 iter_args(%scan3A_25 = %scan3A_17) -> (i32)  : i32 {
      %mul3A_26 = arith.constant 2000 : i32
      %mul3A_27 = arith.muli %scan3A_24, %mul3A_26 : i32
      %multiple_of3A_28 = tpu.assume_multiple %mul3A_27, 8 : i32
      "tpu.region"() ({
        %run_scoped3A = tpu.sem_alloc : memref<!tpu.dma_semaphore, #tpu.memory_space<semaphore_mem>>
        %dma_start3A = tpu.memref_slice %arg5[%multiple_of3A_28] : memref<320000xi32, #tpu.memory_space<hbm>> -> memref<2000xi32, #tpu.memory_space<hbm>>
        %dma_start3A_37 = tpu.memref_slice %arg5[%multiple_of3A_28] : memref<320000xi32, #tpu.memory_space<hbm>> -> memref<2000xi32, #tpu.memory_space<hbm>>
        tpu.enqueue_dma source(%dma_start3A_37 : memref<2000xi32, #tpu.memory_space<hbm>>) target(%arg13 : memref<2000xi32, #tpu.memory_space<vmem>>) target_semaphore(%run_scoped3A : memref<!tpu.dma_semaphore, #tpu.memory_space<semaphore_mem>>)
        %dma_wait3A = tpu.memref_slice %arg5[%multiple_of3A_28] : memref<320000xi32, #tpu.memory_space<hbm>> -> memref<2000xi32, #tpu.memory_space<hbm>>
        %dma_wait3A_38 = tpu.memref_slice %arg5[%multiple_of3A_28] : memref<320000xi32, #tpu.memory_space<hbm>> -> memref<2000xi32, #tpu.memory_space<hbm>>
        tpu.wait_dma2 semaphore(%run_scoped3A : memref<!tpu.dma_semaphore, #tpu.memory_space<semaphore_mem>>) src(%dma_wait3A_38 : memref<2000xi32, #tpu.memory_space<hbm>>) dst(%arg13 : memref<2000xi32, #tpu.memory_space<vmem>>)
        tpu.yield
      }) : () -> ()
      "tpu.region"() ({
        %run_scoped3A = tpu.sem_alloc : memref<!tpu.dma_semaphore, #tpu.memory_space<semaphore_mem>>
        %dma_start3A = tpu.memref_slice %arg6[%multiple_of3A_28] : memref<320000xi32, #tpu.memory_space<hbm>> -> memref<2000xi32, #tpu.memory_space<hbm>>
        %dma_start3A_37 = tpu.memref_slice %arg6[%multiple_of3A_28] : memref<320000xi32, #tpu.memory_space<hbm>> -> memref<2000xi32, #tpu.memory_space<hbm>>
        tpu.enqueue_dma source(%dma_start3A_37 : memref<2000xi32, #tpu.memory_space<hbm>>) target(%arg14 : memref<2000xi32, #tpu.memory_space<vmem>>) target_semaphore(%run_scoped3A : memref<!tpu.dma_semaphore, #tpu.memory_space<semaphore_mem>>)
        %dma_wait3A = tpu.memref_slice %arg6[%multiple_of3A_28] : memref<320000xi32, #tpu.memory_space<hbm>> -> memref<2000xi32, #tpu.memory_space<hbm>>
        %dma_wait3A_38 = tpu.memref_slice %arg6[%multiple_of3A_28] : memref<320000xi32, #tpu.memory_space<hbm>> -> memref<2000xi32, #tpu.memory_space<hbm>>
        tpu.wait_dma2 semaphore(%run_scoped3A : memref<!tpu.dma_semaphore, #tpu.memory_space<semaphore_mem>>) src(%dma_wait3A_38 : memref<2000xi32, #tpu.memory_space<hbm>>) dst(%arg14 : memref<2000xi32, #tpu.memory_space<vmem>>)
        tpu.yield
      }) : () -> ()
      %scan3A_29 = arith.constant 0 : i32
      %scan3A_30 = arith.constant 0 : i32
      %scan3A_31 = arith.constant 125 : i32
      %scan3A_32 = arith.addi %scan3A_30, %scan3A_31 : i32
      %scan3A_33 = arith.constant 1 : i32
      %scan3A_34 = scf.for %scan3A_37 = %scan3A_30 to %scan3A_32 step %scan3A_33 iter_args(%scan3A_38 = %scan3A_29) -> (i32)  : i32 {
        %mul3A_39 = arith.constant 16 : i32
        %mul3A_40 = arith.muli %scan3A_37, %mul3A_39 : i32
        %multiple_of3A_41 = tpu.assume_multiple %mul3A_40, 16 : i32
        %get3A = arith.index_cast %multiple_of3A_41 : i32 to index
        %get3A_42 = tpu.vector_load %arg13[%get3A] {strides = array<i32>} : memref<2000xi32, #tpu.memory_space<vmem>>, vector<16xi32>,
        %get3A_43 = arith.index_cast %multiple_of3A_41 : i32 to index
        %get3A_44 = tpu.vector_load %arg14[%get3A_43] {strides = array<i32>} : memref<2000xi32, #tpu.memory_space<vmem>>, vector<16xi32>,
        %gather3A = tpu.vector_load_idx %arg8[%get3A_42] : memref<10000xf32, #tpu.memory_space<vmem>>[vector<16xi32>], vector<16xf32>,
        %gather3A_45 = tpu.vector_load_idx %arg9[%get3A_44] : memref<10000xf32, #tpu.memory_space<vmem>>[vector<16xi32>], vector<16xf32>,
        %add3A_46 = arith.addf %gather3A, %gather3A_45 : vector<16xf32>
        %ge3A = arith.constant 0.000000e+00 : f32
        %ge3A_47 = vector.broadcast %ge3A : f32 to vector<16xf32>
        %ge3A_48 = arith.cmpf oge, %add3A_46, %ge3A_47 : vector<16xf32>
        %mul3A_49 = arith.constant 2.000000e-01 : f32
        %mul3A_50 = vector.broadcast %mul3A_49 : f32 to vector<16xf32>
        %mul3A_51 = arith.mulf %mul3A_50, %add3A_46 : vector<16xf32>
        %select_n3A = arith.select %ge3A_48, %add3A_46, %mul3A_51 : vector<16xi1>, vector<16xf32>
        %exp3A = math.exp %select_n3A : vector<16xf32>
        %gather3A_52 = tpu.vector_load_idx %arg10[%get3A_44] : memref<10000xf32, #tpu.memory_space<vmem>>[vector<16xi32>], vector<16xf32>,
        %add3A_53 = arith.constant 1.000000e-16 : f32
        %add3A_54 = vector.broadcast %add3A_53 : f32 to vector<16xf32>
        %add3A_55 = arith.addf %gather3A_52, %add3A_54 : vector<16xf32>
        %div3A = arith.divf %exp3A, %add3A_55 : vector<16xf32>
        %broadcast_in_dim3A_56 = arith.constant 0 : i32
        %broadcast_in_dim3A_57 = vector.broadcast %broadcast_in_dim3A_56 : i32 to vector<16xi32>
        %gather3A_58 = tpu.vector_load_idx %arg11[%broadcast_in_dim3A_57, %get3A_42] : memref<4x10000xf32, #tpu.memory_space<vmem>>[vector<16xi32>, vector<16xi32>], vector<16xf32>,
        %mul3A_59 = arith.mulf %gather3A_58, %div3A : vector<16xf32>
        tpu.vector_store_idx %arg12[%broadcast_in_dim3A_57, %get3A_44], %mul3A_59 {add = true} : memref<4x10000xf32, #tpu.memory_space<vmem>>[vector<16xi32>, vector<16xi32>], vector<16xf32>,
        %broadcast_in_dim3A_60 = arith.constant 1 : i32
        %broadcast_in_dim3A_61 = vector.broadcast %broadcast_in_dim3A_60 : i32 to vector<16xi32>
        %gather3A_62 = tpu.vector_load_idx %arg11[%broadcast_in_dim3A_61, %get3A_42] : memref<4x10000xf32, #tpu.memory_space<vmem>>[vector<16xi32>, vector<16xi32>], vector<16xf32>,
        %mul3A_63 = arith.mulf %gather3A_62, %div3A : vector<16xf32>
        tpu.vector_store_idx %arg12[%broadcast_in_dim3A_61, %get3A_44], %mul3A_63 {add = true} : memref<4x10000xf32, #tpu.memory_space<vmem>>[vector<16xi32>, vector<16xi32>], vector<16xf32>,
        %broadcast_in_dim3A_64 = arith.constant 2 : i32
        %broadcast_in_dim3A_65 = vector.broadcast %broadcast_in_dim3A_64 : i32 to vector<16xi32>
        %gather3A_66 = tpu.vector_load_idx %arg11[%broadcast_in_dim3A_65, %get3A_42] : memref<4x10000xf32, #tpu.memory_space<vmem>>[vector<16xi32>, vector<16xi32>], vector<16xf32>,
        %mul3A_67 = arith.mulf %gather3A_66, %div3A : vector<16xf32>
        tpu.vector_store_idx %arg12[%broadcast_in_dim3A_65, %get3A_44], %mul3A_67 {add = true} : memref<4x10000xf32, #tpu.memory_space<vmem>>[vector<16xi32>, vector<16xi32>], vector<16xf32>,
        %broadcast_in_dim3A_68 = arith.constant 3 : i32
        %broadcast_in_dim3A_69 = vector.broadcast %broadcast_in_dim3A_68 : i32 to vector<16xi32>
        %gather3A_70 = tpu.vector_load_idx %arg11[%broadcast_in_dim3A_69, %get3A_42] : memref<4x10000xf32, #tpu.memory_space<vmem>>[vector<16xi32>, vector<16xi32>], vector<16xf32>,
        %mul3A_71 = arith.mulf %gather3A_70, %div3A : vector<16xf32>
        tpu.vector_store_idx %arg12[%broadcast_in_dim3A_69, %get3A_44], %mul3A_71 {add = true} : memref<4x10000xf32, #tpu.memory_space<vmem>>[vector<16xi32>, vector<16xi32>], vector<16xf32>,
        %scan3A_72 = arith.constant 0 : i32
        scf.yield %scan3A_72 : i32
      }
      %scan3A_35 = arith.constant 125 : i32
      %scan3A_36 = arith.constant 0 : i32
      scf.yield %scan3A_36 : i32
    }
    %scan3A_23 = arith.constant 160 : i32
    "tpu.region"() ({
      %run_scoped3A = tpu.sem_alloc : memref<!tpu.dma_semaphore, #tpu.memory_space<semaphore_mem>>
      %dma_start3A = arith.constant 0 : i32
      %dma_start3A_24 = tpu.memref_slice %arg7[%multiple_of3A, %dma_start3A] : memref<128x10000xf32, #tpu.memory_space<hbm>> -> memref<4x10000xf32, #tpu.memory_space<hbm>>
      %dma_start3A_25 = arith.constant 0 : i32
      %dma_start3A_26 = tpu.memref_slice %arg7[%multiple_of3A, %dma_start3A_25] : memref<128x10000xf32, #tpu.memory_space<hbm>> -> memref<4x10000xf32, #tpu.memory_space<hbm>>
      tpu.enqueue_dma source(%arg12 : memref<4x10000xf32, #tpu.memory_space<vmem>>) target(%dma_start3A_26 : memref<4x10000xf32, #tpu.memory_space<hbm>>) target_semaphore(%run_scoped3A : memref<!tpu.dma_semaphore, #tpu.memory_space<semaphore_mem>>)
      %dma_wait3A = arith.constant 0 : i32
      %dma_wait3A_27 = tpu.memref_slice %arg7[%multiple_of3A, %dma_wait3A] : memref<128x10000xf32, #tpu.memory_space<hbm>> -> memref<4x10000xf32, #tpu.memory_space<hbm>>
      %dma_wait3A_28 = arith.constant 0 : i32
      %dma_wait3A_29 = tpu.memref_slice %arg7[%multiple_of3A, %dma_wait3A_28] : memref<128x10000xf32, #tpu.memory_space<hbm>> -> memref<4x10000xf32, #tpu.memory_space<hbm>>
      tpu.wait_dma2 semaphore(%run_scoped3A : memref<!tpu.dma_semaphore, #tpu.memory_space<semaphore_mem>>) src(%arg12 : memref<4x10000xf32, #tpu.memory_space<vmem>>) dst(%dma_wait3A_29 : memref<4x10000xf32, #tpu.memory_space<hbm>>)
      tpu.yield
    }) : () -> ()
    return
  }
}

#map = affine_map<(d0, d1) -> (0, 0)>
#map1 = affine_map<(d0, d1) -> (0)>
module attributes {stable_mosaic.version = 14 : i64} {
  func.func @_conv_edges(%arg0: i32, %arg1: i32, %arg2: memref<128x10000xf32, #tpu.memory_space<hbm>>, %arg3: memref<10000xf32, #tpu.memory_space<hbm>>, %arg4: memref<10000xf32, #tpu.memory_space<hbm>>, %arg5: memref<320000xi32, #tpu.memory_space<hbm>>, %arg6: memref<320000xi32, #tpu.memory_space<hbm>>, %arg7: memref<128x10000xf32, #tpu.memory_space<hbm>>, %arg8: memref<10000xf32, #tpu.memory_space<vmem>>, %arg9: memref<10000xf32, #tpu.memory_space<vmem>>, %arg10: memref<10000xf32, #tpu.memory_space<vmem>>, %arg11: memref<4x10000xf32, #tpu.memory_space<vmem>>, %arg12: memref<4x10000xf32, #tpu.memory_space<vmem>>, %arg13: memref<2000xi32, #tpu.memory_space<vmem>>, %arg14: memref<2000xi32, #tpu.memory_space<vmem>>) attributes {dimension_semantics = [#tpu.dimension_semantics<core_parallel>, #tpu.dimension_semantics<subcore_parallel>], iteration_bounds = array<i64: 2, 16>, scalar_prefetch = 0 : i64, scratch_operands = 7 : i64, tpu.core_type = #tpu.core_type<sc_vector_subcore>, window_params = [{transform_indices = #map}, {transform_indices = #map1}, {transform_indices = #map1}, {transform_indices = #map1}, {transform_indices = #map1}, {transform_indices = #map}]} {
    %mul3A = arith.constant 2 : i32
    %mul3A_0 = arith.muli %arg1, %mul3A : i32
    %add3A = arith.addi %mul3A_0, %arg0 : i32
    %mul3A_1 = arith.constant 4 : i32
    %mul3A_2 = arith.muli %add3A, %mul3A_1 : i32
    %multiple_of3A = tpu.assume_multiple %mul3A_2, 4 : i32
    "tpu.region"() ({
      %run_scoped3A = tpu.sem_alloc : memref<!tpu.dma_semaphore, #tpu.memory_space<semaphore_mem>>
      tpu.enqueue_dma source(%arg3 : memref<10000xf32, #tpu.memory_space<hbm>>) target(%arg8 : memref<10000xf32, #tpu.memory_space<vmem>>) target_semaphore(%run_scoped3A : memref<!tpu.dma_semaphore, #tpu.memory_space<semaphore_mem>>)
      tpu.wait_dma2 semaphore(%run_scoped3A : memref<!tpu.dma_semaphore, #tpu.memory_space<semaphore_mem>>) src(%arg3 : memref<10000xf32, #tpu.memory_space<hbm>>) dst(%arg8 : memref<10000xf32, #tpu.memory_space<vmem>>)
      tpu.yield
    }) : () -> ()
    "tpu.region"() ({
      %run_scoped3A = tpu.sem_alloc : memref<!tpu.dma_semaphore, #tpu.memory_space<semaphore_mem>>
      tpu.enqueue_dma source(%arg4 : memref<10000xf32, #tpu.memory_space<hbm>>) target(%arg9 : memref<10000xf32, #tpu.memory_space<vmem>>) target_semaphore(%run_scoped3A : memref<!tpu.dma_semaphore, #tpu.memory_space<semaphore_mem>>)
      tpu.wait_dma2 semaphore(%run_scoped3A : memref<!tpu.dma_semaphore, #tpu.memory_space<semaphore_mem>>) src(%arg4 : memref<10000xf32, #tpu.memory_space<hbm>>) dst(%arg9 : memref<10000xf32, #tpu.memory_space<vmem>>)
      tpu.yield
    }) : () -> ()
    "tpu.region"() ({
      %run_scoped3A = tpu.sem_alloc : memref<!tpu.dma_semaphore, #tpu.memory_space<semaphore_mem>>
      %dma_start3A = arith.constant 0 : i32
      %dma_start3A_24 = tpu.memref_slice %arg2[%multiple_of3A, %dma_start3A] : memref<128x10000xf32, #tpu.memory_space<hbm>> -> memref<4x10000xf32, #tpu.memory_space<hbm>>
      %dma_start3A_25 = arith.constant 0 : i32
      %dma_start3A_26 = tpu.memref_slice %arg2[%multiple_of3A, %dma_start3A_25] : memref<128x10000xf32, #tpu.memory_space<hbm>> -> memref<4x10000xf32, #tpu.memory_space<hbm>>
      tpu.enqueue_dma source(%dma_start3A_26 : memref<4x10000xf32, #tpu.memory_space<hbm>>) target(%arg11 : memref<4x10000xf32, #tpu.memory_space<vmem>>) target_semaphore(%run_scoped3A : memref<!tpu.dma_semaphore, #tpu.memory_space<semaphore_mem>>)
      %dma_wait3A = arith.constant 0 : i32
      %dma_wait3A_27 = tpu.memref_slice %arg2[%multiple_of3A, %dma_wait3A] : memref<128x10000xf32, #tpu.memory_space<hbm>> -> memref<4x10000xf32, #tpu.memory_space<hbm>>
      %dma_wait3A_28 = arith.constant 0 : i32
      %dma_wait3A_29 = tpu.memref_slice %arg2[%multiple_of3A, %dma_wait3A_28] : memref<128x10000xf32, #tpu.memory_space<hbm>> -> memref<4x10000xf32, #tpu.memory_space<hbm>>
      tpu.wait_dma2 semaphore(%run_scoped3A : memref<!tpu.dma_semaphore, #tpu.memory_space<semaphore_mem>>) src(%dma_wait3A_29 : memref<4x10000xf32, #tpu.memory_space<hbm>>) dst(%arg11 : memref<4x10000xf32, #tpu.memory_space<vmem>>)
      tpu.yield
    }) : () -> ()
    %broadcast_in_dim3A = arith.constant 0.000000e+00 : f32
    %broadcast_in_dim3A_3 = vector.broadcast %broadcast_in_dim3A : f32 to vector<16xf32>
    %scan3A = arith.constant 0 : i32
    %scan3A_4 = arith.constant 0 : i32
    %scan3A_5 = arith.constant 625 : i32
    %scan3A_6 = arith.addi %scan3A_4, %scan3A_5 : i32
    %scan3A_7 = arith.constant 1 : i32
    %scan3A_8 = scf.for %scan3A_24 = %scan3A_4 to %scan3A_6 step %scan3A_7 iter_args(%scan3A_25 = %scan3A) -> (i32)  : i32 {
      %mul3A_26 = arith.constant 16 : i32
      %mul3A_27 = arith.muli %scan3A_24, %mul3A_26 : i32
      %multiple_of3A_28 = tpu.assume_multiple %mul3A_27, 16 : i32
      %swap3A = arith.index_cast %multiple_of3A_28 : i32 to index
      %swap3A_29 = tpu.vector_load %arg10[%swap3A] {strides = array<i32>} : memref<10000xf32, #tpu.memory_space<vmem>>, vector<16xf32>,
      tpu.vector_store %arg10[%swap3A], %broadcast_in_dim3A_3 {strides = array<i32>} : memref<10000xf32, #tpu.memory_space<vmem>>, vector<16xf32>,
      %swap3A_30 = arith.constant 0 : i32
      %swap3A_31 = arith.index_cast %swap3A_30 : i32 to index
      %swap3A_32 = arith.index_cast %multiple_of3A_28 : i32 to index
      %swap3A_33 = tpu.vector_load %arg12[%swap3A_31, %swap3A_32] {strides = array<i32>} : memref<4x10000xf32, #tpu.memory_space<vmem>>, vector<16xf32>,
      tpu.vector_store %arg12[%swap3A_31, %swap3A_32], %broadcast_in_dim3A_3 {strides = array<i32>} : memref<4x10000xf32, #tpu.memory_space<vmem>>, vector<16xf32>,
      %swap3A_34 = arith.constant 1 : i32
      %swap3A_35 = arith.index_cast %swap3A_34 : i32 to index
      %swap3A_36 = arith.index_cast %multiple_of3A_28 : i32 to index
      %swap3A_37 = tpu.vector_load %arg12[%swap3A_35, %swap3A_36] {strides = array<i32>} : memref<4x10000xf32, #tpu.memory_space<vmem>>, vector<16xf32>,
      tpu.vector_store %arg12[%swap3A_35, %swap3A_36], %broadcast_in_dim3A_3 {strides = array<i32>} : memref<4x10000xf32, #tpu.memory_space<vmem>>, vector<16xf32>,
      %swap3A_38 = arith.constant 2 : i32
      %swap3A_39 = arith.index_cast %swap3A_38 : i32 to index
      %swap3A_40 = arith.index_cast %multiple_of3A_28 : i32 to index
      %swap3A_41 = tpu.vector_load %arg12[%swap3A_39, %swap3A_40] {strides = array<i32>} : memref<4x10000xf32, #tpu.memory_space<vmem>>, vector<16xf32>,
      tpu.vector_store %arg12[%swap3A_39, %swap3A_40], %broadcast_in_dim3A_3 {strides = array<i32>} : memref<4x10000xf32, #tpu.memory_space<vmem>>, vector<16xf32>,
      %swap3A_42 = arith.constant 3 : i32
      %swap3A_43 = arith.index_cast %swap3A_42 : i32 to index
      %swap3A_44 = arith.index_cast %multiple_of3A_28 : i32 to index
      %swap3A_45 = tpu.vector_load %arg12[%swap3A_43, %swap3A_44] {strides = array<i32>} : memref<4x10000xf32, #tpu.memory_space<vmem>>, vector<16xf32>,
      tpu.vector_store %arg12[%swap3A_43, %swap3A_44], %broadcast_in_dim3A_3 {strides = array<i32>} : memref<4x10000xf32, #tpu.memory_space<vmem>>, vector<16xf32>,
      %scan3A_46 = arith.constant 0 : i32
      scf.yield %scan3A_46 : i32
    }
    %scan3A_9 = arith.constant 625 : i32
    %scan3A_10 = arith.constant 0 : i32
    %scan3A_11 = arith.constant 0 : i32
    %scan3A_12 = arith.constant 160 : i32
    %scan3A_13 = arith.addi %scan3A_11, %scan3A_12 : i32
    %scan3A_14 = arith.constant 1 : i32
    %scan3A_15 = scf.for %scan3A_24 = %scan3A_11 to %scan3A_13 step %scan3A_14 iter_args(%scan3A_25 = %scan3A_10) -> (i32)  : i32 {
      %mul3A_26 = arith.constant 2000 : i32
      %mul3A_27 = arith.muli %scan3A_24, %mul3A_26 : i32
      %multiple_of3A_28 = tpu.assume_multiple %mul3A_27, 8 : i32
      "tpu.region"() ({
        %run_scoped3A = tpu.sem_alloc : memref<!tpu.dma_semaphore, #tpu.memory_space<semaphore_mem>>
        %dma_start3A = tpu.memref_slice %arg5[%multiple_of3A_28] : memref<320000xi32, #tpu.memory_space<hbm>> -> memref<2000xi32, #tpu.memory_space<hbm>>
        %dma_start3A_37 = tpu.memref_slice %arg5[%multiple_of3A_28] : memref<320000xi32, #tpu.memory_space<hbm>> -> memref<2000xi32, #tpu.memory_space<hbm>>
        tpu.enqueue_dma source(%dma_start3A_37 : memref<2000xi32, #tpu.memory_space<hbm>>) target(%arg13 : memref<2000xi32, #tpu.memory_space<vmem>>) target_semaphore(%run_scoped3A : memref<!tpu.dma_semaphore, #tpu.memory_space<semaphore_mem>>)
        %dma_wait3A = tpu.memref_slice %arg5[%multiple_of3A_28] : memref<320000xi32, #tpu.memory_space<hbm>> -> memref<2000xi32, #tpu.memory_space<hbm>>
        %dma_wait3A_38 = tpu.memref_slice %arg5[%multiple_of3A_28] : memref<320000xi32, #tpu.memory_space<hbm>> -> memref<2000xi32, #tpu.memory_space<hbm>>
        tpu.wait_dma2 semaphore(%run_scoped3A : memref<!tpu.dma_semaphore, #tpu.memory_space<semaphore_mem>>) src(%dma_wait3A_38 : memref<2000xi32, #tpu.memory_space<hbm>>) dst(%arg13 : memref<2000xi32, #tpu.memory_space<vmem>>)
        tpu.yield
      }) : () -> ()
      "tpu.region"() ({
        %run_scoped3A = tpu.sem_alloc : memref<!tpu.dma_semaphore, #tpu.memory_space<semaphore_mem>>
        %dma_start3A = tpu.memref_slice %arg6[%multiple_of3A_28] : memref<320000xi32, #tpu.memory_space<hbm>> -> memref<2000xi32, #tpu.memory_space<hbm>>
        %dma_start3A_37 = tpu.memref_slice %arg6[%multiple_of3A_28] : memref<320000xi32, #tpu.memory_space<hbm>> -> memref<2000xi32, #tpu.memory_space<hbm>>
        tpu.enqueue_dma source(%dma_start3A_37 : memref<2000xi32, #tpu.memory_space<hbm>>) target(%arg14 : memref<2000xi32, #tpu.memory_space<vmem>>) target_semaphore(%run_scoped3A : memref<!tpu.dma_semaphore, #tpu.memory_space<semaphore_mem>>)
        %dma_wait3A = tpu.memref_slice %arg6[%multiple_of3A_28] : memref<320000xi32, #tpu.memory_space<hbm>> -> memref<2000xi32, #tpu.memory_space<hbm>>
        %dma_wait3A_38 = tpu.memref_slice %arg6[%multiple_of3A_28] : memref<320000xi32, #tpu.memory_space<hbm>> -> memref<2000xi32, #tpu.memory_space<hbm>>
        tpu.wait_dma2 semaphore(%run_scoped3A : memref<!tpu.dma_semaphore, #tpu.memory_space<semaphore_mem>>) src(%dma_wait3A_38 : memref<2000xi32, #tpu.memory_space<hbm>>) dst(%arg14 : memref<2000xi32, #tpu.memory_space<vmem>>)
        tpu.yield
      }) : () -> ()
      %scan3A_29 = arith.constant 0 : i32
      %scan3A_30 = arith.constant 0 : i32
      %scan3A_31 = arith.constant 125 : i32
      %scan3A_32 = arith.addi %scan3A_30, %scan3A_31 : i32
      %scan3A_33 = arith.constant 1 : i32
      %scan3A_34 = scf.for %scan3A_37 = %scan3A_30 to %scan3A_32 step %scan3A_33 iter_args(%scan3A_38 = %scan3A_29) -> (i32)  : i32 {
        %mul3A_39 = arith.constant 16 : i32
        %mul3A_40 = arith.muli %scan3A_37, %mul3A_39 : i32
        %multiple_of3A_41 = tpu.assume_multiple %mul3A_40, 16 : i32
        %get3A = arith.index_cast %multiple_of3A_41 : i32 to index
        %get3A_42 = tpu.vector_load %arg13[%get3A] {strides = array<i32>} : memref<2000xi32, #tpu.memory_space<vmem>>, vector<16xi32>,
        %get3A_43 = arith.index_cast %multiple_of3A_41 : i32 to index
        %get3A_44 = tpu.vector_load %arg14[%get3A_43] {strides = array<i32>} : memref<2000xi32, #tpu.memory_space<vmem>>, vector<16xi32>,
        %gather3A = tpu.vector_load_idx %arg8[%get3A_42] : memref<10000xf32, #tpu.memory_space<vmem>>[vector<16xi32>], vector<16xf32>,
        %gather3A_45 = tpu.vector_load_idx %arg9[%get3A_44] : memref<10000xf32, #tpu.memory_space<vmem>>[vector<16xi32>], vector<16xf32>,
        %add3A_46 = arith.addf %gather3A, %gather3A_45 : vector<16xf32>
        %ge3A = arith.constant 0.000000e+00 : f32
        %ge3A_47 = vector.broadcast %ge3A : f32 to vector<16xf32>
        %ge3A_48 = arith.cmpf oge, %add3A_46, %ge3A_47 : vector<16xf32>
        %mul3A_49 = arith.constant 2.000000e-01 : f32
        %mul3A_50 = vector.broadcast %mul3A_49 : f32 to vector<16xf32>
        %mul3A_51 = arith.mulf %mul3A_50, %add3A_46 : vector<16xf32>
        %select_n3A = arith.select %ge3A_48, %add3A_46, %mul3A_51 : vector<16xi1>, vector<16xf32>
        %exp3A = math.exp %select_n3A : vector<16xf32>
        tpu.vector_store_idx %arg10[%get3A_44], %exp3A {add = true} : memref<10000xf32, #tpu.memory_space<vmem>>[vector<16xi32>], vector<16xf32>,
        %scan3A_52 = arith.constant 0 : i32
        scf.yield %scan3A_52 : i32
      }
      %scan3A_35 = arith.constant 125 : i32
      %scan3A_36 = arith.constant 0 : i32
      scf.yield %scan3A_36 : i32
    }
    %scan3A_16 = arith.constant 160 : i32
    %scan3A_17 = arith.constant 0 : i32
    %scan3A_18 = arith.constant 0 : i32
    %scan3A_19 = arith.constant 160 : i32
    %scan3A_20 = arith.addi %scan3A_18, %scan3A_19 : i32
    %scan3A_21 = arith.constant 1 : i32
    %scan3A_22 = scf.for %scan3A_24 = %scan3A_18 to %scan3A_20 step %scan3A_21 iter_args(%scan3A_25 = %scan3A_17) -> (i32)  : i32 {
      %mul3A_26 = arith.constant 2000 : i32
      %mul3A_27 = arith.muli %scan3A_24, %mul3A_26 : i32
      %multiple_of3A_28 = tpu.assume_multiple %mul3A_27, 8 : i32
      "tpu.region"() ({
        %run_scoped3A = tpu.sem_alloc : memref<!tpu.dma_semaphore, #tpu.memory_space<semaphore_mem>>
        %dma_start3A = tpu.memref_slice %arg5[%multiple_of3A_28] : memref<320000xi32, #tpu.memory_space<hbm>> -> memref<2000xi32, #tpu.memory_space<hbm>>
        %dma_start3A_37 = tpu.memref_slice %arg5[%multiple_of3A_28] : memref<320000xi32, #tpu.memory_space<hbm>> -> memref<2000xi32, #tpu.memory_space<hbm>>
        tpu.enqueue_dma source(%dma_start3A_37 : memref<2000xi32, #tpu.memory_space<hbm>>) target(%arg13 : memref<2000xi32, #tpu.memory_space<vmem>>) target_semaphore(%run_scoped3A : memref<!tpu.dma_semaphore, #tpu.memory_space<semaphore_mem>>)
        %dma_wait3A = tpu.memref_slice %arg5[%multiple_of3A_28] : memref<320000xi32, #tpu.memory_space<hbm>> -> memref<2000xi32, #tpu.memory_space<hbm>>
        %dma_wait3A_38 = tpu.memref_slice %arg5[%multiple_of3A_28] : memref<320000xi32, #tpu.memory_space<hbm>> -> memref<2000xi32, #tpu.memory_space<hbm>>
        tpu.wait_dma2 semaphore(%run_scoped3A : memref<!tpu.dma_semaphore, #tpu.memory_space<semaphore_mem>>) src(%dma_wait3A_38 : memref<2000xi32, #tpu.memory_space<hbm>>) dst(%arg13 : memref<2000xi32, #tpu.memory_space<vmem>>)
        tpu.yield
      }) : () -> ()
      "tpu.region"() ({
        %run_scoped3A = tpu.sem_alloc : memref<!tpu.dma_semaphore, #tpu.memory_space<semaphore_mem>>
        %dma_start3A = tpu.memref_slice %arg6[%multiple_of3A_28] : memref<320000xi32, #tpu.memory_space<hbm>> -> memref<2000xi32, #tpu.memory_space<hbm>>
        %dma_start3A_37 = tpu.memref_slice %arg6[%multiple_of3A_28] : memref<320000xi32, #tpu.memory_space<hbm>> -> memref<2000xi32, #tpu.memory_space<hbm>>
        tpu.enqueue_dma source(%dma_start3A_37 : memref<2000xi32, #tpu.memory_space<hbm>>) target(%arg14 : memref<2000xi32, #tpu.memory_space<vmem>>) target_semaphore(%run_scoped3A : memref<!tpu.dma_semaphore, #tpu.memory_space<semaphore_mem>>)
        %dma_wait3A = tpu.memref_slice %arg6[%multiple_of3A_28] : memref<320000xi32, #tpu.memory_space<hbm>> -> memref<2000xi32, #tpu.memory_space<hbm>>
        %dma_wait3A_38 = tpu.memref_slice %arg6[%multiple_of3A_28] : memref<320000xi32, #tpu.memory_space<hbm>> -> memref<2000xi32, #tpu.memory_space<hbm>>
        tpu.wait_dma2 semaphore(%run_scoped3A : memref<!tpu.dma_semaphore, #tpu.memory_space<semaphore_mem>>) src(%dma_wait3A_38 : memref<2000xi32, #tpu.memory_space<hbm>>) dst(%arg14 : memref<2000xi32, #tpu.memory_space<vmem>>)
        tpu.yield
      }) : () -> ()
      %scan3A_29 = arith.constant 0 : i32
      %scan3A_30 = arith.constant 0 : i32
      %scan3A_31 = arith.constant 125 : i32
      %scan3A_32 = arith.addi %scan3A_30, %scan3A_31 : i32
      %scan3A_33 = arith.constant 1 : i32
      %scan3A_34 = scf.for %scan3A_37 = %scan3A_30 to %scan3A_32 step %scan3A_33 iter_args(%scan3A_38 = %scan3A_29) -> (i32)  : i32 {
        %mul3A_39 = arith.constant 16 : i32
        %mul3A_40 = arith.muli %scan3A_37, %mul3A_39 : i32
        %multiple_of3A_41 = tpu.assume_multiple %mul3A_40, 16 : i32
        %get3A = arith.index_cast %multiple_of3A_41 : i32 to index
        %get3A_42 = tpu.vector_load %arg13[%get3A] {strides = array<i32>} : memref<2000xi32, #tpu.memory_space<vmem>>, vector<16xi32>,
        %get3A_43 = arith.index_cast %multiple_of3A_41 : i32 to index
        %get3A_44 = tpu.vector_load %arg14[%get3A_43] {strides = array<i32>} : memref<2000xi32, #tpu.memory_space<vmem>>, vector<16xi32>,
        %gather3A = tpu.vector_load_idx %arg8[%get3A_42] : memref<10000xf32, #tpu.memory_space<vmem>>[vector<16xi32>], vector<16xf32>,
        %gather3A_45 = tpu.vector_load_idx %arg9[%get3A_44] : memref<10000xf32, #tpu.memory_space<vmem>>[vector<16xi32>], vector<16xf32>,
        %add3A_46 = arith.addf %gather3A, %gather3A_45 : vector<16xf32>
        %ge3A = arith.constant 0.000000e+00 : f32
        %ge3A_47 = vector.broadcast %ge3A : f32 to vector<16xf32>
        %ge3A_48 = arith.cmpf oge, %add3A_46, %ge3A_47 : vector<16xf32>
        %mul3A_49 = arith.constant 2.000000e-01 : f32
        %mul3A_50 = vector.broadcast %mul3A_49 : f32 to vector<16xf32>
        %mul3A_51 = arith.mulf %mul3A_50, %add3A_46 : vector<16xf32>
        %select_n3A = arith.select %ge3A_48, %add3A_46, %mul3A_51 : vector<16xi1>, vector<16xf32>
        %exp3A = math.exp %select_n3A : vector<16xf32>
        %gather3A_52 = tpu.vector_load_idx %arg10[%get3A_44] : memref<10000xf32, #tpu.memory_space<vmem>>[vector<16xi32>], vector<16xf32>,
        %add3A_53 = arith.constant 1.000000e-16 : f32
        %add3A_54 = vector.broadcast %add3A_53 : f32 to vector<16xf32>
        %add3A_55 = arith.addf %gather3A_52, %add3A_54 : vector<16xf32>
        %div3A = arith.divf %exp3A, %add3A_55 : vector<16xf32>
        %broadcast_in_dim3A_56 = arith.constant 0 : i32
        %broadcast_in_dim3A_57 = vector.broadcast %broadcast_in_dim3A_56 : i32 to vector<16xi32>
        %gather3A_58 = tpu.vector_load_idx %arg11[%broadcast_in_dim3A_57, %get3A_42] : memref<4x10000xf32, #tpu.memory_space<vmem>>[vector<16xi32>, vector<16xi32>], vector<16xf32>,
        %mul3A_59 = arith.mulf %gather3A_58, %div3A : vector<16xf32>
        tpu.vector_store_idx %arg12[%broadcast_in_dim3A_57, %get3A_44], %mul3A_59 {add = true} : memref<4x10000xf32, #tpu.memory_space<vmem>>[vector<16xi32>, vector<16xi32>], vector<16xf32>,
        %broadcast_in_dim3A_60 = arith.constant 1 : i32
        %broadcast_in_dim3A_61 = vector.broadcast %broadcast_in_dim3A_60 : i32 to vector<16xi32>
        %gather3A_62 = tpu.vector_load_idx %arg11[%broadcast_in_dim3A_61, %get3A_42] : memref<4x10000xf32, #tpu.memory_space<vmem>>[vector<16xi32>, vector<16xi32>], vector<16xf32>,
        %mul3A_63 = arith.mulf %gather3A_62, %div3A : vector<16xf32>
        tpu.vector_store_idx %arg12[%broadcast_in_dim3A_61, %get3A_44], %mul3A_63 {add = true} : memref<4x10000xf32, #tpu.memory_space<vmem>>[vector<16xi32>, vector<16xi32>], vector<16xf32>,
        %broadcast_in_dim3A_64 = arith.constant 2 : i32
        %broadcast_in_dim3A_65 = vector.broadcast %broadcast_in_dim3A_64 : i32 to vector<16xi32>
        %gather3A_66 = tpu.vector_load_idx %arg11[%broadcast_in_dim3A_65, %get3A_42] : memref<4x10000xf32, #tpu.memory_space<vmem>>[vector<16xi32>, vector<16xi32>], vector<16xf32>,
        %mul3A_67 = arith.mulf %gather3A_66, %div3A : vector<16xf32>
        tpu.vector_store_idx %arg12[%broadcast_in_dim3A_65, %get3A_44], %mul3A_67 {add = true} : memref<4x10000xf32, #tpu.memory_space<vmem>>[vector<16xi32>, vector<16xi32>], vector<16xf32>,
        %broadcast_in_dim3A_68 = arith.constant 3 : i32
        %broadcast_in_dim3A_69 = vector.broadcast %broadcast_in_dim3A_68 : i32 to vector<16xi32>
        %gather3A_70 = tpu.vector_load_idx %arg11[%broadcast_in_dim3A_69, %get3A_42] : memref<4x10000xf32, #tpu.memory_space<vmem>>[vector<16xi32>, vector<16xi32>], vector<16xf32>,
        %mul3A_71 = arith.mulf %gather3A_70, %div3A : vector<16xf32>
        tpu.vector_store_idx %arg12[%broadcast_in_dim3A_69, %get3A_44], %mul3A_71 {add = true} : memref<4x10000xf32, #tpu.memory_space<vmem>>[vector<16xi32>, vector<16xi32>], vector<16xf32>,
        %scan3A_72 = arith.constant 0 : i32
        scf.yield %scan3A_72 : i32
      }
      %scan3A_35 = arith.constant 125 : i32
      %scan3A_36 = arith.constant 0 : i32
      scf.yield %scan3A_36 : i32
    }
    %scan3A_23 = arith.constant 160 : i32
    "tpu.region"() ({
      %run_scoped3A = tpu.sem_alloc : memref<!tpu.dma_semaphore, #tpu.memory_space<semaphore_mem>>
      %dma_start3A = arith.constant 0 : i32
      %dma_start3A_24 = tpu.memref_slice %arg7[%multiple_of3A, %dma_start3A] : memref<128x10000xf32, #tpu.memory_space<hbm>> -> memref<4x10000xf32, #tpu.memory_space<hbm>>
      %dma_start3A_25 = arith.constant 0 : i32
      %dma_start3A_26 = tpu.memref_slice %arg7[%multiple_of3A, %dma_start3A_25] : memref<128x10000xf32, #tpu.memory_space<hbm>> -> memref<4x10000xf32, #tpu.memory_space<hbm>>
      tpu.enqueue_dma source(%arg12 : memref<4x10000xf32, #tpu.memory_space<vmem>>) target(%dma_start3A_26 : memref<4x10000xf32, #tpu.memory_space<hbm>>) target_semaphore(%run_scoped3A : memref<!tpu.dma_semaphore, #tpu.memory_space<semaphore_mem>>)
      %dma_wait3A = arith.constant 0 : i32
      %dma_wait3A_27 = tpu.memref_slice %arg7[%multiple_of3A, %dma_wait3A] : memref<128x10000xf32, #tpu.memory_space<hbm>> -> memref<4x10000xf32, #tpu.memory_space<hbm>>
      %dma_wait3A_28 = arith.constant 0 : i32
      %dma_wait3A_29 = tpu.memref_slice %arg7[%multiple_of3A, %dma_wait3A_28] : memref<128x10000xf32, #tpu.memory_space<hbm>> -> memref<4x10000xf32, #tpu.memory_space<hbm>>
      tpu.wait_dma2 semaphore(%run_scoped3A : memref<!tpu.dma_semaphore, #tpu.memory_space<semaphore_mem>>) src(%arg12 : memref<4x10000xf32, #tpu.memory_space<vmem>>) dst(%dma_wait3A_29 : memref<4x10000xf32, #tpu.memory_space<hbm>>)
      tpu.yield
    }) : () -> ()
    return
  }
}

module attributes {stable_mosaic.version = 14 : i64} {
  func.func @_pre_body(%arg0: memref<10000x128xf32, #tpu.memory_space<vmem>>, %arg1: memref<128x128xf32, #tpu.memory_space<vmem>>, %arg2: memref<128x128xf32, #tpu.memory_space<vmem>>, %arg3: memref<1x128xf32, #tpu.memory_space<vmem>>, %arg4: memref<1x128xf32, #tpu.memory_space<vmem>>, %arg5: memref<128x10000xf32, #tpu.memory_space<vmem>>, %arg6: memref<128x10000xf32, #tpu.memory_space<vmem>>, %arg7: memref<1x10000xf32, #tpu.memory_space<vmem>>, %arg8: memref<1x10000xf32, #tpu.memory_space<vmem>>) attributes {dimension_semantics = [], scalar_prefetch = 0 : i64, scratch_operands = 0 : i64, tpu.core_type = #tpu.core_type<tc>} {
    %get3A = arith.constant 0 : index
    %get3A_0 = arith.constant 0 : index
    %get3A_1 = vector.load %arg1[%get3A, %get3A_0] : memref<128x128xf32, #tpu.memory_space<vmem>>, vector<128x128xf32>
    %get3A_2 = arith.constant 0 : index
    %get3A_3 = arith.constant 0 : index
    %get3A_4 = vector.load %arg0[%get3A_2, %get3A_3] : memref<10000x128xf32, #tpu.memory_space<vmem>>, vector<10000x128xf32>
    %dot_general3A = arith.constant dense<0.000000e+00> : vector<128x10000xf32>
    %dot_general3A_5 = tpu.matmul %get3A_1, %get3A_4, %dot_general3A {dimension_numbers = #tpu.dot_dimension_numbers<[0], [1], [1], [0], [0, 1, 1, 0], [], []>, transpose_lhs_hint = false} : vector<128x128xf32>, vector<10000x128xf32>, vector<128x10000xf32> -> vector<128x10000xf32>
    %swap3A = arith.constant 0 : index
    %swap3A_6 = arith.constant 0 : index
    %swap3A_7 = vector.load %arg5[%swap3A, %swap3A_6] : memref<128x10000xf32, #tpu.memory_space<vmem>>, vector<128x10000xf32>
    tpu.vector_store %arg5[%swap3A, %swap3A_6], %dot_general3A_5 {strides = array<i32>} : memref<128x10000xf32, #tpu.memory_space<vmem>>, vector<128x10000xf32>,
    %get3A_8 = arith.constant 0 : index
    %get3A_9 = arith.constant 0 : index
    %get3A_10 = vector.load %arg2[%get3A_8, %get3A_9] : memref<128x128xf32, #tpu.memory_space<vmem>>, vector<128x128xf32>
    %dot_general3A_11 = arith.constant dense<0.000000e+00> : vector<128x10000xf32>
    %dot_general3A_12 = tpu.matmul %get3A_10, %dot_general3A_5, %dot_general3A_11 {dimension_numbers = #tpu.dot_dimension_numbers<[0], [0], [1], [1], [0, 1, 1, 1], [], []>, transpose_lhs_hint = false} : vector<128x128xf32>, vector<128x10000xf32>, vector<128x10000xf32> -> vector<128x10000xf32>
    %swap3A_13 = arith.constant 0 : index
    %swap3A_14 = arith.constant 0 : index
    %swap3A_15 = vector.load %arg6[%swap3A_13, %swap3A_14] : memref<128x10000xf32, #tpu.memory_space<vmem>>, vector<128x10000xf32>
    tpu.vector_store %arg6[%swap3A_13, %swap3A_14], %dot_general3A_12 {strides = array<i32>} : memref<128x10000xf32, #tpu.memory_space<vmem>>, vector<128x10000xf32>,
    %get3A_16 = arith.constant 0 : index
    %get3A_17 = arith.constant 0 : index
    %get3A_18 = vector.load %arg3[%get3A_16, %get3A_17] : memref<1x128xf32, #tpu.memory_space<vmem>>, vector<1x128xf32>
    %dot_general3A_19 = arith.constant dense<0.000000e+00> : vector<1x10000xf32>
    %dot_general3A_20 = tpu.matmul %get3A_18, %dot_general3A_12, %dot_general3A_19 {dimension_numbers = #tpu.dot_dimension_numbers<[1], [0], [0], [1], [0, 0, 1, 1], [], []>, transpose_lhs_hint = false} : vector<1x128xf32>, vector<128x10000xf32>, vector<1x10000xf32> -> vector<1x10000xf32>
    %swap3A_21 = arith.constant 0 : index
    %swap3A_22 = arith.constant 0 : index
    %swap3A_23 = vector.load %arg7[%swap3A_21, %swap3A_22] : memref<1x10000xf32, #tpu.memory_space<vmem>>, vector<1x10000xf32>
    tpu.vector_store %arg7[%swap3A_21, %swap3A_22], %dot_general3A_20 {strides = array<i32>} : memref<1x10000xf32, #tpu.memory_space<vmem>>, vector<1x10000xf32>,
    %get3A_24 = arith.constant 0 : index
    %get3A_25 = arith.constant 0 : index
    %get3A_26 = vector.load %arg4[%get3A_24, %get3A_25] : memref<1x128xf32, #tpu.memory_space<vmem>>, vector<1x128xf32>
    %dot_general3A_27 = arith.constant dense<0.000000e+00> : vector<1x10000xf32>
    %dot_general3A_28 = tpu.matmul %get3A_26, %dot_general3A_12, %dot_general3A_27 {dimension_numbers = #tpu.dot_dimension_numbers<[1], [0], [0], [1], [0, 0, 1, 1], [], []>, transpose_lhs_hint = false} : vector<1x128xf32>, vector<128x10000xf32>, vector<1x10000xf32> -> vector<1x10000xf32>
    %swap3A_29 = arith.constant 0 : index
    %swap3A_30 = arith.constant 0 : index
    %swap3A_31 = vector.load %arg8[%swap3A_29, %swap3A_30] : memref<1x10000xf32, #tpu.memory_space<vmem>>, vector<1x10000xf32>
    tpu.vector_store %arg8[%swap3A_29, %swap3A_30], %dot_general3A_28 {strides = array<i32>} : memref<1x10000xf32, #tpu.memory_space<vmem>>, vector<1x10000xf32>,
    return
  }
}

module attributes {stable_mosaic.version = 14 : i64} {
  func.func @_mid_body(%arg0: memref<128x10000xf32, #tpu.memory_space<vmem>>, %arg1: memref<128x1xf32, #tpu.memory_space<vmem>>, %arg2: memref<128x128xf32, #tpu.memory_space<vmem>>, %arg3: memref<1x128xf32, #tpu.memory_space<vmem>>, %arg4: memref<1x128xf32, #tpu.memory_space<vmem>>, %arg5: memref<128x10000xf32, #tpu.memory_space<vmem>>, %arg6: memref<128x10000xf32, #tpu.memory_space<vmem>>, %arg7: memref<1x10000xf32, #tpu.memory_space<vmem>>, %arg8: memref<1x10000xf32, #tpu.memory_space<vmem>>) attributes {dimension_semantics = [], scalar_prefetch = 0 : i64, scratch_operands = 0 : i64, tpu.core_type = #tpu.core_type<tc>} {
    %get3A = arith.constant 0 : index
    %get3A_0 = arith.constant 0 : index
    %get3A_1 = vector.load %arg0[%get3A, %get3A_0] : memref<128x10000xf32, #tpu.memory_space<vmem>>, vector<128x10000xf32>
    %get3A_2 = arith.constant 0 : index
    %get3A_3 = arith.constant 0 : index
    %get3A_4 = vector.load %arg1[%get3A_2, %get3A_3] : memref<128x1xf32, #tpu.memory_space<vmem>>, vector<128x1xf32>
    %add3A = vector.broadcast %get3A_4 : vector<128x1xf32> to vector<128x10000xf32>
    %add3A_5 = arith.addf %get3A_1, %add3A : vector<128x10000xf32>
    %gt3A = arith.constant 0.000000e+00 : f32
    %gt3A_6 = vector.broadcast %gt3A : f32 to vector<128x10000xf32>
    %gt3A_7 = arith.cmpf ogt, %add3A_5, %gt3A_6 : vector<128x10000xf32>
    %min3A = arith.constant 0.000000e+00 : f32
    %min3A_8 = vector.broadcast %min3A : f32 to vector<128x10000xf32>
    %min3A_9 = arith.minimumf %add3A_5, %min3A_8 : vector<128x10000xf32>
    %exp3A = math.exp %min3A_9 : vector<128x10000xf32>
    %sub3A = arith.constant 1.000000e+00 : f32
    %sub3A_10 = vector.broadcast %sub3A : f32 to vector<128x10000xf32>
    %sub3A_11 = arith.subf %exp3A, %sub3A_10 : vector<128x10000xf32>
    %select_n3A = arith.select %gt3A_7, %add3A_5, %sub3A_11 : vector<128x10000xi1>, vector<128x10000xf32>
    %swap3A = arith.constant 0 : index
    %swap3A_12 = arith.constant 0 : index
    %swap3A_13 = vector.load %arg5[%swap3A, %swap3A_12] : memref<128x10000xf32, #tpu.memory_space<vmem>>, vector<128x10000xf32>
    tpu.vector_store %arg5[%swap3A, %swap3A_12], %select_n3A {strides = array<i32>} : memref<128x10000xf32, #tpu.memory_space<vmem>>, vector<128x10000xf32>,
    %get3A_14 = arith.constant 0 : index
    %get3A_15 = arith.constant 0 : index
    %get3A_16 = vector.load %arg2[%get3A_14, %get3A_15] : memref<128x128xf32, #tpu.memory_space<vmem>>, vector<128x128xf32>
    %dot_general3A = arith.constant dense<0.000000e+00> : vector<128x10000xf32>
    %dot_general3A_17 = tpu.matmul %get3A_16, %select_n3A, %dot_general3A {dimension_numbers = #tpu.dot_dimension_numbers<[0], [0], [1], [1], [0, 1, 1, 1], [], []>, transpose_lhs_hint = false} : vector<128x128xf32>, vector<128x10000xf32>, vector<128x10000xf32> -> vector<128x10000xf32>
    %swap3A_18 = arith.constant 0 : index
    %swap3A_19 = arith.constant 0 : index
    %swap3A_20 = vector.load %arg6[%swap3A_18, %swap3A_19] : memref<128x10000xf32, #tpu.memory_space<vmem>>, vector<128x10000xf32>
    tpu.vector_store %arg6[%swap3A_18, %swap3A_19], %dot_general3A_17 {strides = array<i32>} : memref<128x10000xf32, #tpu.memory_space<vmem>>, vector<128x10000xf32>,
    %get3A_21 = arith.constant 0 : index
    %get3A_22 = arith.constant 0 : index
    %get3A_23 = vector.load %arg3[%get3A_21, %get3A_22] : memref<1x128xf32, #tpu.memory_space<vmem>>, vector<1x128xf32>
    %dot_general3A_24 = arith.constant dense<0.000000e+00> : vector<1x10000xf32>
    %dot_general3A_25 = tpu.matmul %get3A_23, %dot_general3A_17, %dot_general3A_24 {dimension_numbers = #tpu.dot_dimension_numbers<[1], [0], [0], [1], [0, 0, 1, 1], [], []>, transpose_lhs_hint = false} : vector<1x128xf32>, vector<128x10000xf32>, vector<1x10000xf32> -> vector<1x10000xf32>
    %swap3A_26 = arith.constant 0 : index
    %swap3A_27 = arith.constant 0 : index
    %swap3A_28 = vector.load %arg7[%swap3A_26, %swap3A_27] : memref<1x10000xf32, #tpu.memory_space<vmem>>, vector<1x10000xf32>
    tpu.vector_store %arg7[%swap3A_26, %swap3A_27], %dot_general3A_25 {strides = array<i32>} : memref<1x10000xf32, #tpu.memory_space<vmem>>, vector<1x10000xf32>,
    %get3A_29 = arith.constant 0 : index
    %get3A_30 = arith.constant 0 : index
    %get3A_31 = vector.load %arg4[%get3A_29, %get3A_30] : memref<1x128xf32, #tpu.memory_space<vmem>>, vector<1x128xf32>
    %dot_general3A_32 = arith.constant dense<0.000000e+00> : vector<1x10000xf32>
    %dot_general3A_33 = tpu.matmul %get3A_31, %dot_general3A_17, %dot_general3A_32 {dimension_numbers = #tpu.dot_dimension_numbers<[1], [0], [0], [1], [0, 0, 1, 1], [], []>, transpose_lhs_hint = false} : vector<1x128xf32>, vector<128x10000xf32>, vector<1x10000xf32> -> vector<1x10000xf32>
    %swap3A_34 = arith.constant 0 : index
    %swap3A_35 = arith.constant 0 : index
    %swap3A_36 = vector.load %arg8[%swap3A_34, %swap3A_35] : memref<1x10000xf32, #tpu.memory_space<vmem>>, vector<1x10000xf32>
    tpu.vector_store %arg8[%swap3A_34, %swap3A_35], %dot_general3A_33 {strides = array<i32>} : memref<1x10000xf32, #tpu.memory_space<vmem>>, vector<1x10000xf32>,
    return
  }
}

module attributes {stable_mosaic.version = 14 : i64} {
  func.func @_readout_body(%arg0: memref<1x10000xi32, #tpu.memory_space<vmem>>, %arg1: memref<10000x128xf32, #tpu.memory_space<vmem>>, %arg2: memref<128x10000xf32, #tpu.memory_space<vmem>>, %arg3: memref<128x10000xf32, #tpu.memory_space<vmem>>, %arg4: memref<128x1xf32, #tpu.memory_space<vmem>>, %arg5: memref<1x128xf32, #tpu.memory_space<vmem>>, %arg6: memref<1x128xf32, #tpu.memory_space<vmem>>, %arg7: memref<1x128xf32, #tpu.memory_space<vmem>>, %arg8: memref<1x128xf32, #tpu.memory_space<vmem>>, %arg9: memref<1x128xf32, #tpu.memory_space<vmem>>, %arg10: memref<1x128xf32, #tpu.memory_space<vmem>>, %arg11: memref<128x128xf32, #tpu.memory_space<vmem>>, %arg12: memref<1x128xf32, #tpu.memory_space<vmem>>, %arg13: memref<128x128xf32, #tpu.memory_space<vmem>>, %arg14: memref<1x128xf32, #tpu.memory_space<vmem>>, %arg15: memref<128x128xf32, #tpu.memory_space<vmem>>, %arg16: memref<1x128xf32, #tpu.memory_space<vmem>>, %arg17: memref<128x10xf32, #tpu.memory_space<vmem>>, %arg18: memref<1x10xf32, #tpu.memory_space<vmem>>, %arg19: memref<64x10xf32, #tpu.memory_space<vmem>>) attributes {dimension_semantics = [], scalar_prefetch = 0 : i64, scratch_operands = 0 : i64, tpu.core_type = #tpu.core_type<tc>} {
    %iota3A = tpu.iota {dimensions = array<i32: 0>} : vector<64x10000xi32>
    %get3A = arith.constant 0 : index
    %get3A_0 = arith.constant 0 : index
    %get3A_1 = vector.load %arg0[%get3A, %get3A_0] : memref<1x10000xi32, #tpu.memory_space<vmem>>, vector<1x10000xi32>
    %eq3A = vector.broadcast %get3A_1 : vector<1x10000xi32> to vector<64x10000xi32>
    %eq3A_2 = arith.cmpi eq, %iota3A, %eq3A : vector<64x10000xi32>
    %convert_element_type3A = arith.extui %eq3A_2 : vector<64x10000xi1> to vector<64x10000xi32>
    %convert_element_type3A_3 = arith.sitofp %convert_element_type3A : vector<64x10000xi32> to vector<64x10000xf32>
    %reduce_sum3A = arith.constant dense<0.000000e+00> : vector<64xf32>
    %reduce_sum3A_4 = vector.multi_reduction <add>, %convert_element_type3A_3, %reduce_sum3A [1] : vector<64x10000xf32> to vector<64xf32>
    %broadcast_in_dim3A = vector.shape_cast %reduce_sum3A_4 : vector<64xf32> to vector<64x1xf32>
    %max3A = arith.constant 1.000000e+00 : f32
    %max3A_5 = vector.broadcast %max3A : f32 to vector<64x1xf32>
    %max3A_6 = arith.maximumf %broadcast_in_dim3A, %max3A_5 : vector<64x1xf32>
    %get3A_7 = arith.constant 0 : index
    %get3A_8 = arith.constant 0 : index
    %get3A_9 = vector.load %arg1[%get3A_7, %get3A_8] : memref<10000x128xf32, #tpu.memory_space<vmem>>, vector<10000x128xf32>
    %dot_general3A = arith.constant dense<0.000000e+00> : vector<64x128xf32>
    %dot_general3A_10 = tpu.matmul %convert_element_type3A_3, %get3A_9, %dot_general3A {dimension_numbers = #tpu.dot_dimension_numbers<[1], [0], [0], [1], [0, 0, 1, 1], [], []>, transpose_lhs_hint = false} : vector<64x10000xf32>, vector<10000x128xf32>, vector<64x128xf32> -> vector<64x128xf32>
    %div3A = vector.broadcast %max3A_6 : vector<64x1xf32> to vector<64x128xf32>
    %div3A_11 = arith.divf %dot_general3A_10, %div3A : vector<64x128xf32>
    %get3A_12 = arith.constant 0 : index
    %get3A_13 = arith.constant 0 : index
    %get3A_14 = vector.load %arg2[%get3A_12, %get3A_13] : memref<128x10000xf32, #tpu.memory_space<vmem>>, vector<128x10000xf32>
    %dot_general3A_15 = arith.constant dense<0.000000e+00> : vector<64x128xf32>
    %dot_general3A_16 = tpu.matmul %convert_element_type3A_3, %get3A_14, %dot_general3A_15 {dimension_numbers = #tpu.dot_dimension_numbers<[1], [1], [0], [0], [0, 0, 1, 0], [], []>, transpose_lhs_hint = false} : vector<64x10000xf32>, vector<128x10000xf32>, vector<64x128xf32> -> vector<64x128xf32>
    %div3A_17 = vector.broadcast %max3A_6 : vector<64x1xf32> to vector<64x128xf32>
    %div3A_18 = arith.divf %dot_general3A_16, %div3A_17 : vector<64x128xf32>
    %get3A_19 = arith.constant 0 : index
    %get3A_20 = arith.constant 0 : index
    %get3A_21 = vector.load %arg3[%get3A_19, %get3A_20] : memref<128x10000xf32, #tpu.memory_space<vmem>>, vector<128x10000xf32>
    %get3A_22 = arith.constant 0 : index
    %get3A_23 = arith.constant 0 : index
    %get3A_24 = vector.load %arg4[%get3A_22, %get3A_23] : memref<128x1xf32, #tpu.memory_space<vmem>>, vector<128x1xf32>
    %add3A = vector.broadcast %get3A_24 : vector<128x1xf32> to vector<128x10000xf32>
    %add3A_25 = arith.addf %get3A_21, %add3A : vector<128x10000xf32>
    %dot_general3A_26 = arith.constant dense<0.000000e+00> : vector<64x128xf32>
    %dot_general3A_27 = tpu.matmul %convert_element_type3A_3, %add3A_25, %dot_general3A_26 {dimension_numbers = #tpu.dot_dimension_numbers<[1], [1], [0], [0], [0, 0, 1, 0], [], []>, transpose_lhs_hint = false} : vector<64x10000xf32>, vector<128x10000xf32>, vector<64x128xf32> -> vector<64x128xf32>
    %div3A_28 = vector.broadcast %max3A_6 : vector<64x1xf32> to vector<64x128xf32>
    %div3A_29 = arith.divf %dot_general3A_27, %div3A_28 : vector<64x128xf32>
    %get3A_30 = arith.constant 0 : index
    %get3A_31 = arith.constant 0 : index
    %get3A_32 = vector.load %arg5[%get3A_30, %get3A_31] : memref<1x128xf32, #tpu.memory_space<vmem>>, vector<1x128xf32>
    %get3A_33 = arith.constant 0 : index
    %get3A_34 = arith.constant 0 : index
    %get3A_35 = vector.load %arg6[%get3A_33, %get3A_34] : memref<1x128xf32, #tpu.memory_space<vmem>>, vector<1x128xf32>
    %reduce_sum3A_36 = arith.constant dense<0.000000e+00> : vector<128xf32>
    %reduce_sum3A_37 = vector.multi_reduction <add>, %div3A_11, %reduce_sum3A_36 [0] : vector<64x128xf32> to vector<128xf32>
    %div3A_38 = arith.constant 6.400000e+01 : f32
    %div3A_39 = vector.broadcast %div3A_38 : f32 to vector<128xf32>
    %div3A_40 = arith.divf %reduce_sum3A_37, %div3A_39 : vector<128xf32>
    %jit3A = arith.constant 0 : i32
    %reduce_sum3A_41 = arith.constant dense<0.000000e+00> : vector<128xf32>
    %reduce_sum3A_42 = vector.multi_reduction <add>, %div3A_11, %reduce_sum3A_41 [0] : vector<64x128xf32> to vector<128xf32>
    %broadcast_in_dim3A_43 = vector.shape_cast %reduce_sum3A_42 : vector<128xf32> to vector<1x128xf32>
    %div3A_44 = arith.constant 6.400000e+01 : f32
    %div3A_45 = vector.broadcast %div3A_44 : f32 to vector<1x128xf32>
    %div3A_46 = arith.divf %broadcast_in_dim3A_43, %div3A_45 : vector<1x128xf32>
    %sub3A = vector.broadcast %div3A_46 : vector<1x128xf32> to vector<64x128xf32>
    %sub3A_47 = arith.subf %div3A_11, %sub3A : vector<64x128xf32>
    %square3A = arith.mulf %sub3A_47, %sub3A_47 : vector<64x128xf32>
    %convert_element_type3A_48 = arith.sitofp %jit3A : i32 to f32
    %sub3A_49 = arith.constant 6.400000e+01 : f32
    %sub3A_50 = arith.subf %sub3A_49, %convert_element_type3A_48 : f32
    %reduce_sum3A_51 = arith.constant dense<0.000000e+00> : vector<128xf32>
    %reduce_sum3A_52 = vector.multi_reduction <add>, %square3A, %reduce_sum3A_51 [0] : vector<64x128xf32> to vector<128xf32>
    %div3A_53 = vector.broadcast %sub3A_50 : f32 to vector<128xf32>
    %div3A_54 = arith.divf %reduce_sum3A_52, %div3A_53 : vector<128xf32>
    %gt3A = arith.constant 0.000000e+00 : f32
    %gt3A_55 = arith.cmpf ogt, %sub3A_50, %gt3A : f32
    %jit3A_56 = arith.constant 0x7FC00000 : f32
    %broadcast_in_dim3A_57 = vector.broadcast %jit3A_56 : f32 to vector<128xf32>
    %select_n3A = arith.select %gt3A_55, %div3A_54, %broadcast_in_dim3A_57 : vector<128xf32>
    %broadcast_in_dim3A_58 = vector.shape_cast %div3A_40 : vector<128xf32> to vector<1x128xf32>
    %sub3A_59 = vector.broadcast %broadcast_in_dim3A_58 : vector<1x128xf32> to vector<64x128xf32>
    %sub3A_60 = arith.subf %div3A_11, %sub3A_59 : vector<64x128xf32>
    %add3A_61 = arith.constant 9.99999974E-6 : f32
    %add3A_62 = vector.broadcast %add3A_61 : f32 to vector<128xf32>
    %add3A_63 = arith.addf %select_n3A, %add3A_62 : vector<128xf32>
    %sqrt3A = math.sqrt %add3A_63 : vector<128xf32>
    %broadcast_in_dim3A_64 = vector.shape_cast %sqrt3A : vector<128xf32> to vector<1x128xf32>
    %div3A_65 = vector.broadcast %broadcast_in_dim3A_64 : vector<1x128xf32> to vector<64x128xf32>
    %div3A_66 = arith.divf %sub3A_60, %div3A_65 : vector<64x128xf32>
    %mul3A = vector.broadcast %get3A_32 : vector<1x128xf32> to vector<64x128xf32>
    %mul3A_67 = arith.mulf %div3A_66, %mul3A : vector<64x128xf32>
    %add3A_68 = vector.broadcast %get3A_35 : vector<1x128xf32> to vector<64x128xf32>
    %add3A_69 = arith.addf %mul3A_67, %add3A_68 : vector<64x128xf32>
    %get3A_70 = arith.constant 0 : index
    %get3A_71 = arith.constant 0 : index
    %get3A_72 = vector.load %arg11[%get3A_70, %get3A_71] : memref<128x128xf32, #tpu.memory_space<vmem>>, vector<128x128xf32>
    %dot_general3A_73 = arith.constant dense<0.000000e+00> : vector<64x128xf32>
    %dot_general3A_74 = tpu.matmul %add3A_69, %get3A_72, %dot_general3A_73 {dimension_numbers = #tpu.dot_dimension_numbers<[1], [0], [0], [1], [0, 0, 1, 1], [], []>, transpose_lhs_hint = false} : vector<64x128xf32>, vector<128x128xf32>, vector<64x128xf32> -> vector<64x128xf32>
    %get3A_75 = arith.constant 0 : index
    %get3A_76 = arith.constant 0 : index
    %get3A_77 = vector.load %arg12[%get3A_75, %get3A_76] : memref<1x128xf32, #tpu.memory_space<vmem>>, vector<1x128xf32>
    %add3A_78 = vector.broadcast %get3A_77 : vector<1x128xf32> to vector<64x128xf32>
    %add3A_79 = arith.addf %dot_general3A_74, %add3A_78 : vector<64x128xf32>
    %max3A_80 = arith.constant 0.000000e+00 : f32
    %max3A_81 = vector.broadcast %max3A_80 : f32 to vector<64x128xf32>
    %max3A_82 = arith.maximumf %add3A_79, %max3A_81 : vector<64x128xf32>
    %get3A_83 = arith.constant 0 : index
    %get3A_84 = arith.constant 0 : index
    %get3A_85 = vector.load %arg7[%get3A_83, %get3A_84] : memref<1x128xf32, #tpu.memory_space<vmem>>, vector<1x128xf32>
    %get3A_86 = arith.constant 0 : index
    %get3A_87 = arith.constant 0 : index
    %get3A_88 = vector.load %arg8[%get3A_86, %get3A_87] : memref<1x128xf32, #tpu.memory_space<vmem>>, vector<1x128xf32>
    %reduce_sum3A_89 = arith.constant dense<0.000000e+00> : vector<128xf32>
    %reduce_sum3A_90 = vector.multi_reduction <add>, %div3A_18, %reduce_sum3A_89 [0] : vector<64x128xf32> to vector<128xf32>
    %div3A_91 = arith.constant 6.400000e+01 : f32
    %div3A_92 = vector.broadcast %div3A_91 : f32 to vector<128xf32>
    %div3A_93 = arith.divf %reduce_sum3A_90, %div3A_92 : vector<128xf32>
    %jit3A_94 = arith.constant 0 : i32
    %reduce_sum3A_95 = arith.constant dense<0.000000e+00> : vector<128xf32>
    %reduce_sum3A_96 = vector.multi_reduction <add>, %div3A_18, %reduce_sum3A_95 [0] : vector<64x128xf32> to vector<128xf32>
    %broadcast_in_dim3A_97 = vector.shape_cast %reduce_sum3A_96 : vector<128xf32> to vector<1x128xf32>
    %div3A_98 = arith.constant 6.400000e+01 : f32
    %div3A_99 = vector.broadcast %div3A_98 : f32 to vector<1x128xf32>
    %div3A_100 = arith.divf %broadcast_in_dim3A_97, %div3A_99 : vector<1x128xf32>
    %sub3A_101 = vector.broadcast %div3A_100 : vector<1x128xf32> to vector<64x128xf32>
    %sub3A_102 = arith.subf %div3A_18, %sub3A_101 : vector<64x128xf32>
    %square3A_103 = arith.mulf %sub3A_102, %sub3A_102 : vector<64x128xf32>
    %convert_element_type3A_104 = arith.sitofp %jit3A_94 : i32 to f32
    %sub3A_105 = arith.constant 6.400000e+01 : f32
    %sub3A_106 = arith.subf %sub3A_105, %convert_element_type3A_104 : f32
    %reduce_sum3A_107 = arith.constant dense<0.000000e+00> : vector<128xf32>
    %reduce_sum3A_108 = vector.multi_reduction <add>, %square3A_103, %reduce_sum3A_107 [0] : vector<64x128xf32> to vector<128xf32>
    %div3A_109 = vector.broadcast %sub3A_106 : f32 to vector<128xf32>
    %div3A_110 = arith.divf %reduce_sum3A_108, %div3A_109 : vector<128xf32>
    %gt3A_111 = arith.constant 0.000000e+00 : f32
    %gt3A_112 = arith.cmpf ogt, %sub3A_106, %gt3A_111 : f32
    %jit3A_113 = arith.constant 0x7FC00000 : f32
    %broadcast_in_dim3A_114 = vector.broadcast %jit3A_113 : f32 to vector<128xf32>
    %select_n3A_115 = arith.select %gt3A_112, %div3A_110, %broadcast_in_dim3A_114 : vector<128xf32>
    %broadcast_in_dim3A_116 = vector.shape_cast %div3A_93 : vector<128xf32> to vector<1x128xf32>
    %sub3A_117 = vector.broadcast %broadcast_in_dim3A_116 : vector<1x128xf32> to vector<64x128xf32>
    %sub3A_118 = arith.subf %div3A_18, %sub3A_117 : vector<64x128xf32>
    %add3A_119 = arith.constant 9.99999974E-6 : f32
    %add3A_120 = vector.broadcast %add3A_119 : f32 to vector<128xf32>
    %add3A_121 = arith.addf %select_n3A_115, %add3A_120 : vector<128xf32>
    %sqrt3A_122 = math.sqrt %add3A_121 : vector<128xf32>
    %broadcast_in_dim3A_123 = vector.shape_cast %sqrt3A_122 : vector<128xf32> to vector<1x128xf32>
    %div3A_124 = vector.broadcast %broadcast_in_dim3A_123 : vector<1x128xf32> to vector<64x128xf32>
    %div3A_125 = arith.divf %sub3A_118, %div3A_124 : vector<64x128xf32>
    %mul3A_126 = vector.broadcast %get3A_85 : vector<1x128xf32> to vector<64x128xf32>
    %mul3A_127 = arith.mulf %div3A_125, %mul3A_126 : vector<64x128xf32>
    %add3A_128 = vector.broadcast %get3A_88 : vector<1x128xf32> to vector<64x128xf32>
    %add3A_129 = arith.addf %mul3A_127, %add3A_128 : vector<64x128xf32>
    %get3A_130 = arith.constant 0 : index
    %get3A_131 = arith.constant 0 : index
    %get3A_132 = vector.load %arg13[%get3A_130, %get3A_131] : memref<128x128xf32, #tpu.memory_space<vmem>>, vector<128x128xf32>
    %dot_general3A_133 = arith.constant dense<0.000000e+00> : vector<64x128xf32>
    %dot_general3A_134 = tpu.matmul %add3A_129, %get3A_132, %dot_general3A_133 {dimension_numbers = #tpu.dot_dimension_numbers<[1], [0], [0], [1], [0, 0, 1, 1], [], []>, transpose_lhs_hint = false} : vector<64x128xf32>, vector<128x128xf32>, vector<64x128xf32> -> vector<64x128xf32>
    %get3A_135 = arith.constant 0 : index
    %get3A_136 = arith.constant 0 : index
    %get3A_137 = vector.load %arg14[%get3A_135, %get3A_136] : memref<1x128xf32, #tpu.memory_space<vmem>>, vector<1x128xf32>
    %add3A_138 = vector.broadcast %get3A_137 : vector<1x128xf32> to vector<64x128xf32>
    %add3A_139 = arith.addf %dot_general3A_134, %add3A_138 : vector<64x128xf32>
    %max3A_140 = arith.constant 0.000000e+00 : f32
    %max3A_141 = vector.broadcast %max3A_140 : f32 to vector<64x128xf32>
    %max3A_142 = arith.maximumf %add3A_139, %max3A_141 : vector<64x128xf32>
    %add3A_143 = arith.addf %max3A_82, %max3A_142 : vector<64x128xf32>
    %get3A_144 = arith.constant 0 : index
    %get3A_145 = arith.constant 0 : index
    %get3A_146 = vector.load %arg9[%get3A_144, %get3A_145] : memref<1x128xf32, #tpu.memory_space<vmem>>, vector<1x128xf32>
    %get3A_147 = arith.constant 0 : index
    %get3A_148 = arith.constant 0 : index
    %get3A_149 = vector.load %arg10[%get3A_147, %get3A_148] : memref<1x128xf32, #tpu.memory_space<vmem>>, vector<1x128xf32>
    %reduce_sum3A_150 = arith.constant dense<0.000000e+00> : vector<128xf32>
    %reduce_sum3A_151 = vector.multi_reduction <add>, %div3A_29, %reduce_sum3A_150 [0] : vector<64x128xf32> to vector<128xf32>
    %div3A_152 = arith.constant 6.400000e+01 : f32
    %div3A_153 = vector.broadcast %div3A_152 : f32 to vector<128xf32>
    %div3A_154 = arith.divf %reduce_sum3A_151, %div3A_153 : vector<128xf32>
    %jit3A_155 = arith.constant 0 : i32
    %reduce_sum3A_156 = arith.constant dense<0.000000e+00> : vector<128xf32>
    %reduce_sum3A_157 = vector.multi_reduction <add>, %div3A_29, %reduce_sum3A_156 [0] : vector<64x128xf32> to vector<128xf32>
    %broadcast_in_dim3A_158 = vector.shape_cast %reduce_sum3A_157 : vector<128xf32> to vector<1x128xf32>
    %div3A_159 = arith.constant 6.400000e+01 : f32
    %div3A_160 = vector.broadcast %div3A_159 : f32 to vector<1x128xf32>
    %div3A_161 = arith.divf %broadcast_in_dim3A_158, %div3A_160 : vector<1x128xf32>
    %sub3A_162 = vector.broadcast %div3A_161 : vector<1x128xf32> to vector<64x128xf32>
    %sub3A_163 = arith.subf %div3A_29, %sub3A_162 : vector<64x128xf32>
    %square3A_164 = arith.mulf %sub3A_163, %sub3A_163 : vector<64x128xf32>
    %convert_element_type3A_165 = arith.sitofp %jit3A_155 : i32 to f32
    %sub3A_166 = arith.constant 6.400000e+01 : f32
    %sub3A_167 = arith.subf %sub3A_166, %convert_element_type3A_165 : f32
    %reduce_sum3A_168 = arith.constant dense<0.000000e+00> : vector<128xf32>
    %reduce_sum3A_169 = vector.multi_reduction <add>, %square3A_164, %reduce_sum3A_168 [0] : vector<64x128xf32> to vector<128xf32>
    %div3A_170 = vector.broadcast %sub3A_167 : f32 to vector<128xf32>
    %div3A_171 = arith.divf %reduce_sum3A_169, %div3A_170 : vector<128xf32>
    %gt3A_172 = arith.constant 0.000000e+00 : f32
    %gt3A_173 = arith.cmpf ogt, %sub3A_167, %gt3A_172 : f32
    %jit3A_174 = arith.constant 0x7FC00000 : f32
    %broadcast_in_dim3A_175 = vector.broadcast %jit3A_174 : f32 to vector<128xf32>
    %select_n3A_176 = arith.select %gt3A_173, %div3A_171, %broadcast_in_dim3A_175 : vector<128xf32>
    %broadcast_in_dim3A_177 = vector.shape_cast %div3A_154 : vector<128xf32> to vector<1x128xf32>
    %sub3A_178 = vector.broadcast %broadcast_in_dim3A_177 : vector<1x128xf32> to vector<64x128xf32>
    %sub3A_179 = arith.subf %div3A_29, %sub3A_178 : vector<64x128xf32>
    %add3A_180 = arith.constant 9.99999974E-6 : f32
    %add3A_181 = vector.broadcast %add3A_180 : f32 to vector<128xf32>
    %add3A_182 = arith.addf %select_n3A_176, %add3A_181 : vector<128xf32>
    %sqrt3A_183 = math.sqrt %add3A_182 : vector<128xf32>
    %broadcast_in_dim3A_184 = vector.shape_cast %sqrt3A_183 : vector<128xf32> to vector<1x128xf32>
    %div3A_185 = vector.broadcast %broadcast_in_dim3A_184 : vector<1x128xf32> to vector<64x128xf32>
    %div3A_186 = arith.divf %sub3A_179, %div3A_185 : vector<64x128xf32>
    %mul3A_187 = vector.broadcast %get3A_146 : vector<1x128xf32> to vector<64x128xf32>
    %mul3A_188 = arith.mulf %div3A_186, %mul3A_187 : vector<64x128xf32>
    %add3A_189 = vector.broadcast %get3A_149 : vector<1x128xf32> to vector<64x128xf32>
    %add3A_190 = arith.addf %mul3A_188, %add3A_189 : vector<64x128xf32>
    %get3A_191 = arith.constant 0 : index
    %get3A_192 = arith.constant 0 : index
    %get3A_193 = vector.load %arg15[%get3A_191, %get3A_192] : memref<128x128xf32, #tpu.memory_space<vmem>>, vector<128x128xf32>
    %dot_general3A_194 = arith.constant dense<0.000000e+00> : vector<64x128xf32>
    %dot_general3A_195 = tpu.matmul %add3A_190, %get3A_193, %dot_general3A_194 {dimension_numbers = #tpu.dot_dimension_numbers<[1], [0], [0], [1], [0, 0, 1, 1], [], []>, transpose_lhs_hint = false} : vector<64x128xf32>, vector<128x128xf32>, vector<64x128xf32> -> vector<64x128xf32>
    %get3A_196 = arith.constant 0 : index
    %get3A_197 = arith.constant 0 : index
    %get3A_198 = vector.load %arg16[%get3A_196, %get3A_197] : memref<1x128xf32, #tpu.memory_space<vmem>>, vector<1x128xf32>
    %add3A_199 = vector.broadcast %get3A_198 : vector<1x128xf32> to vector<64x128xf32>
    %add3A_200 = arith.addf %dot_general3A_195, %add3A_199 : vector<64x128xf32>
    %max3A_201 = arith.constant 0.000000e+00 : f32
    %max3A_202 = vector.broadcast %max3A_201 : f32 to vector<64x128xf32>
    %max3A_203 = arith.maximumf %add3A_200, %max3A_202 : vector<64x128xf32>
    %add3A_204 = arith.addf %add3A_143, %max3A_203 : vector<64x128xf32>
    %get3A_205 = arith.constant 0 : index
    %get3A_206 = arith.constant 0 : index
    %get3A_207 = vector.load %arg17[%get3A_205, %get3A_206] : memref<128x10xf32, #tpu.memory_space<vmem>>, vector<128x10xf32>
    %dot_general3A_208 = arith.constant dense<0.000000e+00> : vector<64x10xf32>
    %dot_general3A_209 = tpu.matmul %add3A_204, %get3A_207, %dot_general3A_208 {dimension_numbers = #tpu.dot_dimension_numbers<[1], [0], [0], [1], [0, 0, 1, 1], [], []>, transpose_lhs_hint = false} : vector<64x128xf32>, vector<128x10xf32>, vector<64x10xf32> -> vector<64x10xf32>
    %get3A_210 = arith.constant 0 : index
    %get3A_211 = arith.constant 0 : index
    %get3A_212 = vector.load %arg18[%get3A_210, %get3A_211] : memref<1x10xf32, #tpu.memory_space<vmem>>, vector<1x10xf32>
    %add3A_213 = vector.broadcast %get3A_212 : vector<1x10xf32> to vector<64x10xf32>
    %add3A_214 = arith.addf %dot_general3A_209, %add3A_213 : vector<64x10xf32>
    %reduce_max3A = arith.constant dense<0xFF800000> : vector<64xf32>
    %reduce_max3A_215 = vector.multi_reduction <maximumf>, %add3A_214, %reduce_max3A [1] : vector<64x10xf32> to vector<64xf32>
    %broadcast_in_dim3A_216 = vector.shape_cast %reduce_max3A_215 : vector<64xf32> to vector<64x1xf32>
    %sub3A_217 = vector.broadcast %broadcast_in_dim3A_216 : vector<64x1xf32> to vector<64x10xf32>
    %sub3A_218 = arith.subf %add3A_214, %sub3A_217 : vector<64x10xf32>
    %exp3A = math.exp %sub3A_218 : vector<64x10xf32>
    %reduce_sum3A_219 = arith.constant dense<0.000000e+00> : vector<64xf32>
    %reduce_sum3A_220 = vector.multi_reduction <add>, %exp3A, %reduce_sum3A_219 [1] : vector<64x10xf32> to vector<64xf32>
    %broadcast_in_dim3A_221 = vector.shape_cast %reduce_sum3A_220 : vector<64xf32> to vector<64x1xf32>
    %log3A = math.log %broadcast_in_dim3A_221 : vector<64x1xf32>
    %sub3A_222 = vector.broadcast %log3A : vector<64x1xf32> to vector<64x10xf32>
    %sub3A_223 = arith.subf %sub3A_218, %sub3A_222 : vector<64x10xf32>
    %swap3A = arith.constant 0 : index
    %swap3A_224 = arith.constant 0 : index
    %swap3A_225 = vector.load %arg19[%swap3A, %swap3A_224] : memref<64x10xf32, #tpu.memory_space<vmem>>, vector<64x10xf32>
    tpu.vector_store %arg19[%swap3A, %swap3A_224], %sub3A_223 {strides = array<i32>} : memref<64x10xf32, #tpu.memory_space<vmem>>, vector<64x10xf32>,
    return
  }
}

</mosaic_0001>

<sc_bundles>
// kernel: kernel.10.cloned.1.call-start
scs
__scs_entry_jumppad:
0x0: {  	(pc) =	sbr.rel $0x88, $3  }
0x1: {  	(tag) =	ssettag $0x0;
	lr =	simm.s32 $0x1  }
0x2: {  	[smem:$0x3F87] =	sst lr;
	_ =	strace $0xD0000000  }
0x3: {  	_ = 	snop  }
0x4: {  	_ = 	snop  }
0x5: {  	_ = 	snop  }
0x6: {  	_ = 	snop  }
0x7: {  	_ = 	snop  }
__scs_overlays_trampoline_lowered:
0x8: {  	[smem:$0x3F96] =	sst s0  }
0x9: {  	[smem:$0x3F97] =	sst s1  }
0xa: {  	[smem:$0x3F98] =	sst s2  }
0xb: {  	[smem:$0x3F99] =	sst s3  }
0xc: {  	[smem:$0x3F9A] =	sst s4  }
0xd: {  	[smem:$0x3F9B] =	sst s5  }
0xe: {  	[smem:$0x3F9C] =	sst s6  }
0xf: {  	[smem:$0x3F9D] =	sst s7  }
0x10: {  	[smem:$0x3F9E] =	sst s8  }
0x11: {  	[smem:$0x3F9F] =	sst s9;
	s0 =	simm.s32 @!p0 $0x0  }
0x12: {  	s1 =	sld [smem:$0x3F85];
	s0 =	simm.s32 @p0 $0x1  }
0x13: {  	[smem:$0x3FA0] =	sst s0;
	s0 =	simm.s32 @!p1 $0x0  }
0x14: {  	s2 =	sld [smem:$0x3F84];
	s0 =	simm.s32 @p1 $0x1  }
0x15: {  	[smem:$0x3FA1] =	sst s0;
	s0 =	simm.s32 @!p2 $0x0  }
0x16: {  	s3 =	sld [smem:$0x3FDB];
	s0 =	simm.s32 @p2 $0x1  }
0x17: {  	s4 =	simm.s32 $0x1BF5;
	[smem:$0x3FA3] =	sst s0  }
0x18: {  	s0 =	sld [smem:$0x3F86];
	_ =	swait.ge [sflag:s4], $0x0  }
0x19: {  	s7 =	sld [smem:$0x3F87]  }
0x1a: {  	s8 =	sadd.s32 $0xFFFFE003, lr  }
0x1b: {  	s9 =	sadd.s32 $0xFFFFFEF7, lr;
	s5 =	simm.s32 $0xFFFFFFFF;
	p2 =	slt.u32 s8, $0xFFFFF086  }
0x1c: {  	p1 =	slt.u32 s9, $0xF7A;
	s5 =	simm.s32 @!p2 $0x0  }
0x1d: {  	s5 =	simm.s32 @p1 $0x1;
	p0 =	seq.s32 s7, s2  }
0x1e: {  	s7 =	smul.u32 @!p0 $0xF7A, s2;
	p2 =	seq.s32 @!p0 s5, $0x0  }
0x1f: {  	s9 =	smul.u32 $0xF7A, s1;
	s8 =	simm.s32 @!p0 $0x1BF5;
	p2 =	por !p2, p0  }
0x20: {  	[sflag:s8] =	ssyncset.s32 @!p0 $0xFFFFF086;
	s6 =	sadd.s32 @!p0 s3, s7;
	s7 =	simm.s32 @!p0 $0x108  }
0x21: {  	s3 =	sadd.s32 s3, s9;
	s6 =	sadd.s32 @!p0 $0x88, s6;
	s7 =	simm.s32 @p2 $0x1082  }
0x22: {  	[simem:s7], [sflag:s8] =	dma.local @!p0 [hbm:s6], $0xF7A  }
0x23: {  	s9 =	sor.u32 $0xD0000000, s2;
	s6 =	simm.s32 $0x108;
	_ =	swait.ge @!p0 [sflag:s8], $0x0  }
0x24: {  	s3 =	sadd.s32 $0x88, s3;
	s6 =	simm.s32 @!p1 $0x1082;
	[sflag:s4] =	ssyncset.s32 $0xFFFFF086  }
0x25: {  	[simem:s6], [sflag:s4] =	dma.local [hbm:s3], $0xF7A  }
0x26: {  	[smem:$0x3F87] =	sst s1;
	(tag) =	ssettag s2;
	_ =	strace s9  }
0x27: {  	s1 =	sld [smem:$0x3F97]  }
0x28: {  	s2 =	sld [smem:$0x3F98]  }
0x29: {  	s4 =	sld [smem:$0x3F9A]  }
0x2a: {  	p0 =	seq.s32 s5, $0x0;
	s5 =	sld [smem:$0x3F9B]  }
0x2b: {  	s6 =	sld [smem:$0x3F9C]  }
0x2c: {  	s7 =	sld [smem:$0x3F9D]  }
0x2d: {  	s3 =	simm.s32 $0x108;
	s8 =	sld [smem:$0x3F9E]  }
0x2e: {  	s3 =	simm.s32 @!p0 $0x1082;
	s9 =	sld [smem:$0x3F9F]  }
0x2f: {  	lr =	sadd.s32 s0, s3;
	s0 =	sld [smem:$0x3F96]  }
0x30: {  	s3 =	sld [smem:$0x3F99]  }
0x31: {  	[smem:$0x3FA2] =	sst s10  }
0x32: {  	s10 =	sld [smem:$0x3FA0];
	_ =	sdelay $0x3  }
0x33: {  	p0 =	seq.s32 s10, $0x1;
	s10 =	sld [smem:$0x3FA2];
	_ =	sdelay $0x3  }
0x34: {  	[smem:$0x3FA2] =	sst s10  }
0x35: {  	s10 =	sld [smem:$0x3FA1];
	_ =	sdelay $0x3  }
0x36: {  	p1 =	seq.s32 s10, $0x1;
	s10 =	sld [smem:$0x3FA2];
	_ =	sdelay $0x3  }
0x37: {  	[smem:$0x3FA2] =	sst s10  }
0x38: {  	s10 =	sld [smem:$0x3FA3]  }
0x39: {  	_ = 	snop;
	(pc) =	sbr.ind lr, $3  }
0x3a: {  	_ = 	snop  }
0x3b: {  	_ = 	snop  }
0x3c: {  	p2 =	seq.s32 s10, $0x1;
	s10 =	sld [smem:$0x3FA2]  }
0x3d: {  	_ =	shalt  }
0x3e: {  	_ =	shalt  }
0x3f: {  	_ =	shalt  }
0x40: {  	_ =	shalt  }
0x41: {  	_ =	shalt  }
0x42: {  	_ =	shalt  }
0x43: {  	_ =	shalt  }
0x44: {  	_ =	shalt  }
0x45: {  	_ =	shalt  }
0x46: {  	_ =	shalt  }
0x47: {  	_ =	shalt  }
0x48: {  	_ =	shalt  }
0x49: {  	_ =	shalt  }
0x4a: {  	_ =	shalt  }
0x4b: {  	_ =	shalt  }
0x4c: {  	_ =	shalt  }
0x4d: {  	_ =	shalt  }
0x4e: {  	_ =	shalt  }
0x4f: {  	_ =	shalt  }
0x50: {  	_ =	shalt  }
0x51: {  	_ =	shalt  }
0x52: {  	_ =	shalt  }
0x53: {  	_ =	shalt  }
0x54: {  	_ =	shalt  }
0x55: {  	_ =	shalt  }
0x56: {  	_ =	shalt  }
0x57: {  	_ =	shalt  }
0x58: {  	_ =	shalt  }
0x59: {  	_ =	shalt  }
0x5a: {  	_ =	shalt  }
0x5b: {  	_ =	shalt  }
0x5c: {  	_ =	shalt  }
0x5d: {  	_ =	shalt  }
0x5e: {  	_ =	shalt  }
0x5f: {  	_ =	shalt  }
0x60: {  	_ =	shalt  }
0x61: {  	_ =	shalt  }
0x62: {  	_ =	shalt  }
0x63: {  	_ =	shalt  }
0x64: {  	_ =	shalt  }
0x65: {  	_ =	shalt  }
0x66: {  	_ =	shalt  }
0x67: {  	_ =	shalt  }
0x68: {  	_ =	shalt  }
0x69: {  	_ =	shalt  }
0x6a: {  	_ =	shalt  }
0x6b: {  	_ =	shalt  }
0x6c: {  	_ =	shalt  }
0x6d: {  	_ =	shalt  }
0x6e: {  	_ =	shalt  }
0x6f: {  	_ =	shalt  }
0x70: {  	_ =	shalt  }
0x71: {  	_ =	shalt  }
0x72: {  	_ =	shalt  }
0x73: {  	_ =	shalt  }
0x74: {  	_ =	shalt  }
0x75: {  	_ =	shalt  }
0x76: {  	_ =	shalt  }
0x77: {  	_ =	shalt  }
0x78: {  	_ =	shalt  }
0x79: {  	_ =	shalt  }
0x7a: {  	_ =	shalt  }
0x7b: {  	_ =	shalt  }
0x7c: {  	_ =	shalt  }
0x7d: {  	_ =	shalt  }
0x7e: {  	_ =	shalt  }
0x7f: {  	_ =	shalt  }
0x80: {  	_ =	shalt  }
0x81: {  	_ =	shalt  }
0x82: {  	_ =	shalt  }
0x83: {  	_ =	shalt  }
0x84: {  	_ =	shalt  }
0x85: {  	_ =	shalt  }
0x86: {  	_ =	shalt  }
0x87: {  	_ =	shalt  }
.Lfunc_end0:
.L_simem_size_0:
called_computation.1_lowered:
.L_overlay_start_0:
0x88: {  	s2 =	sld [smem:$0x3FD9]  }
0x89: {  	s3 =	sld [smem:$0x3FFE];
	_ =	sdelay $0x1  }
0x8a: {  	s1 =	srdreg.scid  }
0x8b: {  	s0 =	sand.u32 $0x1, s1  }
0x8c: {  	s16 =	sshll.u32 s0, $0xA;
	s2 =	sadd.s32 s3, s2  }
0x8d: {  	s2 =	sadd.s32 s2, s16  }
0x8e: {  	[smem:$0x3FAE] =	sst s2  }
0x8f: {  	_ = 	snop  }
0x90: {  	(tm) =	ssettm $0x1  }
0x91: {  	s17 =	sld [smem:$0x3FFB];
	_ =	sdelay $0x3  }
0x92: {  	_ =	strace s17  }
0x93: {  	s2 =	sld [smem:$0x3FFC];
	_ =	sdelay $0x3  }
0x94: {  	_ =	strace s2  }
0x95: {  	s2 =	sld [smem:$0x3FFD];
	_ =	sdelay $0x3  }
0x96: {  	_ =	strace s2  }
0x97: {  	_ =	strace $0x8FFFFFFF  }
0x98: {  	s18 =	sld [smem:$0x3FDB];
	_ =	sdelay $0x1  }
0x99: {  	s19 =	simm.s32 $_scs_section_size  }
0x9a: {  	s4 =	simm.s32 $_size__tile_overlayer_lowered;
	s5 =	simm.s32 $_tile_overlayer_lowered  }
0x9b: {  	s22 =	simm.s32 $0x1BFF;
	s21 =	sshll.u32 s5, $0x1;
	s2 =	sadd.s32 s19, s18  }
0x9c: {  	s6 =	simm.s32 $0x0;
	s20 =	sshll.u32 s4, $0x1;
	s4 =	sadd.s32 s21, s2  }
0x9d: {  	[timem:s6], [sflag:s22] =	dma.local [hbm:s4], s20  }
0x9e: {  	_ =	swait.ge [sflag:s22], s20  }
0x9f: {  	s3 =	ssub.s32 $0x0, s20;
	[sflag:s22] =	ssyncset.done $0x0  }
0xa0: {  	[sflag:s22] =	ssyncadd.s32 s3;
	_ =	sdelay $0x1  }
0xa1: {  	s23 =	simm.s32 $0x1B8B  }
0xa2: {  	_ =	swait.ge [sflag:s23], $0x1  }
0xa3: {  	[sflag:s23] =	ssyncset.done $0x0  }
0xa4: {  	s25 =	simm.s32 $0x1B8E;
	s24 =	sld [smem:$0x3FFE];
	[sflag:s23] =	ssyncadd.s32 $0xFFFFFFFF  }
0xa5: {  	s26 =	simm.s32 $execute0_lowered;
	[smem:$0x3FD2] =	sst s25  }
0xa6: {  	s4 =	sshll.u32 s26, $0x1;
	_ =	strace $0x80000049;
	[dreg:$0x1] =	wrdreg $0xFFFFFFFF  }
0xa7: {  	s28 =	simm.s32 $_size_execute0_lowered;
	s2 =	sadd.s32 s2, s4;
	[dreg:$0x0] =	wrdreg $0x0  }
0xa8: {  	s4 =	sshll.u32 s28, $0x1;
	[dreg:$0x2] =	wrdreg s2  }
0xa9: {  	[dreg:$0x3] =	wrdreg s4  }
0xaa: {  	[dreg:$0x4] =	wrdreg $0xC0  }
0xab: {  	_ =	task [dreg:s6], $0x5FFFF  }
0xac: {  	[dreg:$0x1] =	wrdreg $0xFFFFFFFF  }
0xad: {  	[dreg:$0x0] =	wrdreg $0x60  }
0xae: {  	[dreg:$0x2] =	wrdreg s24  }
0xaf: {  	[dreg:$0x3] =	wrdreg $0x9  }
0xb0: {  	_ =	task.clear_ibuf [dreg:s6], $0x4FFFF;
	_ =	strace $0x90000049  }
0xb1: {  	s29 =	simm.s32 $0x9;
	_ =	strace $0x8000004B  }
0xb2: {  	_ =	swait.ge [sflag:s29], $0x1  }
0xb3: {  	[sflag:s29] =	ssyncadd.s32 $0xFFFFFFFF  }
0xb4: {  	_ =	strace $0x9000004B  }
0xb5: {  	_ =	sfence  }
0xb6: {  	s30 =	sld [smem:$0x0];
	_ =	sdelay $0x2  }
0xb7: {  	s31 =	sshll.u32 s1, $0xD;
	s1 =	sshrl.u32 s1, $0x2  }
0xb8: {  	s3 =	sand.u32 $0x4000, s31;
	s1 =	sadd.s32 s1, s30  }
0xb9: {  	s0 =	sor.u32 s3, s0;
	s1 =	sshll.u32 s1, $0x11  }
0xba: {  	s0 =	sor.u32 s1, s0  }
0xbb: {  	s0 =	sadd.s32 $0x8F2B, s0  }
0xbc: {  	[sflag:s0] =	ssyncadd.remote.s32 $0x1  }
0xbd: {  	_ =	sfence.sel $0xFFFF  }
0xbe: {  	[dreg:$0x0] =	wrdreg $0xFFFFFFFF;
	(pc) =	sbr.abs _section_cstart, $3  }
0xbf: {  	[dreg:$0x1] =	wrdreg $0xFFFFFFFF  }
0xc0: {  	_ =	task.clear_ibuf [dreg:s6], $0x2FFFF;
	_ =	strace $0x9FFFFFFF  }
0xc1: {  	(tm) =	ssettm $0x7FFFFFFF  }
tec
execute0_lowered:
.L_overlay_start_1:
0x0: {  	(tag) =	ssettag $0x1  }
0x1: {  	s7 =	rddreg [dreg:$0x0];
	s2 =	srdreg.scid  }
0x2: {  	s0 =	rddreg [dreg:$0x1];
	s1 =	stileid.u32  }
0x3: {  	s10 =	simm.s32 $0x1;
	s11 =	simm.s32 $0x2710;
	s12 =	simm.s32 $0x7530  }
0x4: {  	s13 =	simm.s32 $0x1ADB0;
	s14 =	simm.s32 $0x1B580;
	s15 =	simm.s32 $0x4E20  }
0x5: {  	s16 =	simm.s32 $0x11170;
	s17 =	simm.s32 $0x0;
	s6 =	sand.u32 $0x1, s2  }
0x6: {  	s2 =	simm.s32 $0x0;
	s3 =	sshll.u32 s1, $0x3;
	s4 =	sshll.u32 s6, $0x2  }
0x7: {  	s5 =	sadd.s32 $0x34400, s7;
	[smem:$0x7FF] =	sst s2;
	s4 =	sor.u32 s4, s3  }
0x8: {  	s9 =	ssub.s32 $0x2, s6;
	s6 =	sadd.s32 $0x2A600, s7;
	s8 =	smul.u32 $0x4E2, s4  }
0x9: {  	_ =	strace $0x8000004A;
	s3 =	sadd.s32 $0x2A000, s7;
	s31 =	sshrl.u32 s9, $0x1  }
0xa: {  	s4 =	sadd.s32 $0x29A00, s7;
	s9 =	ssub.s32 s9, s31;
	s8 =	sadd.s32 s8, s7  }
0xb: {  	v0 =	vimm.f32 $0.0e+00;
	s9 =	smax.u32 s9, $0x1;
	s7 =	sadd.s32 $0x2800, s8;
	s8 =	sadd.s32 $0x3E200, s8  }
.LBB2_1:
0xc: {  	[tilespmem:s2], [sflag:$0x1] =	stream.linear.gather [hbm4b:s3+s2], $0x2710, $0x38;
	[tilespmem:$0x1BD50] =	vst v63  }
0xd: {  	_ =	swait.ge [sflag:s10], $0x2710  }
0xe: {  	[sflag:s10] =	ssyncset.done $0x0  }
0xf: {  	[sflag:s10] =	ssyncadd.s32 $0xFFFFD8F0  }
0x10: {  	[tilespmem:s11], [sflag:$0x1] =	stream.linear.gather [hbm4b:s4+s2], $0x2710, $0x38;
	[tilespmem:$0x1BD50] =	vst v63  }
0x11: {  	_ =	swait.ge [sflag:s10], $0x2710  }
0x12: {  	[sflag:s10] =	ssyncset.done $0x0  }
0x13: {  	[sflag:s10] =	ssyncadd.s32 $0xFFFFD8F0  }
0x14: {  	[tilespmem:s12], [sflag:$0x1] =	stream.linear.gather [hbm4b:s7+s2], $0x9C40, $0x38;
	[tilespmem:$0x1BD50] =	vst v63  }
0x15: {  	_ =	swait.ge [sflag:s10], $0x9C40  }
0x16: {  	[sflag:s10] =	ssyncset.done $0x0  }
0x17: {  	s19 =	simm.s32 $0x40;
	s18 =	simm.s32 $0x0;
	[sflag:s10] =	ssyncadd.s32 $0xFFFF63C0  }
.LBB2_2:
0x18: {  	p0 =	sne.s32 s19, $0x9C00;
	[tilespmem:s18+$0x186A0] =	vst v0;
	s20 =	smov.u32 s19;
	s19 =	sadd.s32 $0x40, s19  }
.Ltmp0:
0x19: {  	[tilespmem:s18+$0x15F90] =	vst v0;
	(pc) =	sbr.rel @p0 .LBB2_2-.Ltmp0, $4  }
0x1a: {  	[tilespmem:s18+$0x13880] =	vst v0  }
0x1b: {  	[tilespmem:s18+$0x4E20] =	vst v0  }
0x1c: {  	[tilespmem:s18+$0x11170] =	vst v0  }
0x1d: {  	s18 =	sshra.s32 s20, $0x2  }
0x1e: {  	[tilespmem:s18+$0x186A0] =	vst v0  }
0x1f: {  	[tilespmem:s18+$0x15F90] =	vst v0  }
0x20: {  	[tilespmem:s18+$0x13880] =	vst v0  }
0x21: {  	[tilespmem:s18+$0x4E20] =	vst v0  }
0x22: {  	s19 =	simm.s32 $0x0;
	[tilespmem:s18+$0x11170] =	vst v0;
	s20 =	simm.s32 $0x0  }
.LBB2_4:
0x23: {  	s18 =	smul.u32 $0xFA, s20;
	_ =	sdelay $0x1  }
0x24: {  	s21 =	sadd.s32 s5, s18  }
0x25: {  	[tilespmem:s13], [sflag:$0x1] =	stream.linear.gather [hbm4b:s21+s19], $0x7D0, $0x38;
	[tilespmem:$0x1BD50] =	vst v63  }
0x26: {  	_ =	swait.ge [sflag:s10], $0x7D0  }
0x27: {  	[sflag:s10] =	ssyncset.done $0x0  }
0x28: {  	s18 =	sadd.s32 s6, s18;
	[sflag:s10] =	ssyncadd.s32 $0xFFFFF830  }
0x29: {  	[tilespmem:s14], [sflag:$0x1] =	stream.linear.gather [hbm4b:s18+s19], $0x7D0, $0x38;
	[tilespmem:$0x1BD50] =	vst v63  }
0x2a: {  	_ =	swait.ge [sflag:s10], $0x7D0  }
0x2b: {  	[sflag:s10] =	ssyncset.done $0x0  }
0x2c: {  	s21 =	simm.s32 $0x0;
	[sflag:s10] =	ssyncadd.s32 $0xFFFFF830  }
0x2d: {  	s18 =	simm.s32 $0x40;
	v1 =	vld [tilespmem:s21+$0x1B580]  }
.LBB2_5:
0x2e: {  	p0 =	sne.s32 s18, $0x1F00;
	v2 =	vld [tilespmem:s21+$0x1ADB0];
	_ =	sdelay $0x6  }
0x2f: {  	v3 =	vld.idx.msk [tilespmem:v1+s11+$0x0], $0xffff  }
0x30: {  	v2 =	vld.idx.msk [tilespmem:v2+s2+$0x0], $0xffff;
	_ =	sdelay $0x5  }
0x31: {  	v2 =	vadd.f32 v3, v2;
	_ =	sdelay $0x1  }
0x32: {  	v3 =	vmul.f32 $2.000000030e-01, v2  }
0x33: {  	vm0 =	vge.f32 v2, $0.0e+00  }
0x34: {  	v2 =	vsel vm0, v2, v3  }
0x35: {  	v2 =	vmul.f32 $1.442695020e+00, v2;
	_ =	sdelay $0x1  }
0x36: {  	(erf) = vpow2.f32 v2;
	_ =	sdelay $0x6  }
.Ltmp1:
0x37: {  	(pc) =	sbr.rel @p0 .LBB2_5-.Ltmp1, $4  }
0x38: {  	_ = 	snop  }
0x39: {  	v2 =	vpop (erf)  }
0x3a: {  	s21 =	sshra.s32 s18, $0x2;
	[tilespmem:v1+s15+$0x0] =	vst.idx.add.f32.msk $0xffff, v2  }
0x3b: {  	s18 =	sadd.s32 $0x40, s18;
	v1 =	vld [tilespmem:s21+$0x1B580]  }
0x3c: {  	_ = 	snop  }
0x3d: {  	v2 =	vld [tilespmem:s21+$0x1ADB0];
	_ =	sdelay $0x6  }
0x3e: {  	v3 =	vld.idx.msk [tilespmem:v1+s11+$0x0], $0xffff  }
0x3f: {  	v2 =	vld.idx.msk [tilespmem:v2+s2+$0x0], $0xffff;
	_ =	sdelay $0x4  }
0x40: {  	v2 =	vadd.f32 v3, v2;
	_ =	sdelay $0x1  }
0x41: {  	v3 =	vmul.f32 $2.000000030e-01, v2  }
0x42: {  	vm0 =	vge.f32 v2, $0.0e+00  }
0x43: {  	v2 =	vsel vm0, v2, v3  }
0x44: {  	v2 =	vmul.f32 $1.442695020e+00, v2;
	_ =	sdelay $0x1  }
0x45: {  	(erf) = vpow2.f32 v2;
	_ =	sdelay $0x3  }
0x46: {  	s20 =	sadd.s32 $0x1, s20  }
0x47: {  	p0 =	sne.s32 s20, $0xA0  }
.Ltmp2:
0x48: {  	_ = 	snop;
	(pc) =	sbr.rel @p0 .LBB2_4-.Ltmp2, $3  }
0x49: {  	_ =	sdelay $0x1  }
0x4a: {  	v2 =	vpop (erf)  }
0x4b: {  	s18 =	simm.s32 $0x0;
	[tilespmem:v1+s15+$0x0] =	vst.idx.add.f32.msk $0xffff, v2  }
0x4c: {  	s19 =	simm.s32 $0x0  }
.LBB2_8:
0x4d: {  	s20 =	smul.u32 $0xFA, s19;
	_ =	sdelay $0x1  }
0x4e: {  	s21 =	sadd.s32 s5, s20  }
0x4f: {  	[tilespmem:s13], [sflag:$0x1] =	stream.linear.gather [hbm4b:s21+s18], $0x7D0, $0x38;
	[tilespmem:$0x1BD50] =	vst v63  }
0x50: {  	_ =	swait.ge [sflag:s10], $0x7D0  }
0x51: {  	[sflag:s10] =	ssyncset.done $0x0  }
0x52: {  	s20 =	sadd.s32 s6, s20;
	[sflag:s10] =	ssyncadd.s32 $0xFFFFF830  }
0x53: {  	[tilespmem:s14], [sflag:$0x1] =	stream.linear.gather [hbm4b:s20+s18], $0x7D0, $0x38;
	[tilespmem:$0x1BD50] =	vst v63  }
0x54: {  	_ =	swait.ge [sflag:s10], $0x7D0  }
0x55: {  	[sflag:s10] =	ssyncset.done $0x0  }
0x56: {  	s31 =	simm.s32 $0x0;
	[sflag:s10] =	ssyncadd.s32 $0xFFFFF830  }
0x57: {  	v1 =	vld [tilespmem:s31+$0x1ADB0]  }
0x58: {  	v2 =	vld [tilespmem:s31+$0x1B580];
	_ =	sdelay $0x6  }
0x59: {  	v3 =	vld.idx.msk [tilespmem:v1+s2+$0x0], $0xffff  }
0x5a: {  	v4 =	vld.idx.msk [tilespmem:v2+s11+$0x0], $0xffff;
	_ =	sdelay $0x3  }
0x5b: {  	v5 =	vld.idx.msk [tilespmem:v2+s15+$0x0], $0xffff  }
0x5c: {  	v3 =	vadd.f32 v4, v3;
	_ =	sdelay $0x1  }
0x5d: {  	v4 =	vmul.f32 $2.000000030e-01, v3  }
0x5e: {  	vm0 =	vge.f32 v3, $0.0e+00  }
0x5f: {  	v59 =	vadd.f32 $1.000000020e-16, v5;
	v3 =	vsel vm0, v3, v4  }
0x60: {  	v3 =	vmul.f32 $1.442695020e+00, v3  }
0x61: {  	(erf) = vrcp.f32 v59  }
0x62: {  	(erf) = vpow2.f32 v3;
	_ =	sdelay $0x6  }
0x63: {  	v3 =	vld.idx.msk [tilespmem:v1+s12+$0x0], $0xffff  }
0x64: {  	v4 =	vpop (erf)  }
0x65: {  	v60 =	vpop (erf)  }
0x66: {  	v6 =	vadd.s32 $0x2710, v1;
	v4 =	vmul.f32 v60, v4;
	_ =	sdelay $0x1  }
0x67: {  	v3 =	vmul.f32 v4, v3;
	_ =	sdelay $0x1  }
0x68: {  	[tilespmem:v2+s16+$0x0] =	vst.idx.add.f32.msk $0xffff, v3  }
0x69: {  	v3 =	vld.idx.msk [tilespmem:v6+s12+$0x0], $0xffff;
	_ =	sdelay $0x1  }
0x6a: {  	v61 =	vadd.s32 $0x2710, v2  }
0x6b: {  	v62 =	vadd.s32 $0x4E20, v1;
	_ =	sdelay $0x1  }
0x6c: {  	v3 =	vmul.f32 v4, v3;
	_ =	sdelay $0x1  }
0x6d: {  	[tilespmem:v61+s16+$0x0] =	vst.idx.add.f32.msk $0xffff, v3  }
0x6e: {  	v3 =	vld.idx.msk [tilespmem:v62+s12+$0x0], $0xffff;
	_ =	sdelay $0x1  }
0x6f: {  	v63 =	vadd.s32 $0x4E20, v2  }
0x70: {  	v1 =	vadd.s32 $0x7530, v1;
	_ =	sdelay $0x1  }
0x71: {  	v3 =	vmul.f32 v4, v3;
	_ =	sdelay $0x1  }
0x72: {  	[tilespmem:v63+s16+$0x0] =	vst.idx.add.f32.msk $0xffff, v3  }
0x73: {  	v3 =	vld.idx.msk [tilespmem:v1+s12+$0x0], $0xffff;
	_ =	sdelay $0x1  }
0x74: {  	v1 =	vadd.s32 $0x7530, v2;
	_ =	sdelay $0x2  }
0x75: {  	s20 =	simm.s32 $0x40;
	v2 =	vmul.f32 v3, v4  }
.LBB2_9:
0x76: {  	p0 =	sne.s32 s20, $0x1F00;
	s21 =	smov.u32 s20;
	s20 =	sadd.s32 $0x40, s20  }
0x77: {  	s21 =	sshra.s32 s21, $0x2;
	[tilespmem:v1+s16+$0x0] =	vst.idx.add.f32.msk $0xffff, v2  }
0x78: {  	v1 =	vld [tilespmem:s21+$0x1ADB0]  }
0x79: {  	v2 =	vld [tilespmem:s21+$0x1B580];
	_ =	sdelay $0x6  }
0x7a: {  	v3 =	vld.idx.msk [tilespmem:v1+s2+$0x0], $0xffff  }
0x7b: {  	v4 =	vld.idx.msk [tilespmem:v2+s11+$0x0], $0xffff;
	_ =	sdelay $0x3  }
0x7c: {  	v5 =	vld.idx.msk [tilespmem:v2+s15+$0x0], $0xffff;
	_ =	sdelay $0x1  }
0x7d: {  	v3 =	vadd.f32 v4, v3;
	_ =	sdelay $0x1  }
0x7e: {  	vm0 =	vge.f32 v3, $0.0e+00;
	v4 =	vmul.f32 $2.000000030e-01, v3;
	_ =	sdelay $0x1  }
0x7f: {  	v3 =	vsel vm0, v3, v4;
	v4 =	vadd.f32 $1.000000020e-16, v5  }
0x80: {  	v3 =	vmul.f32 $1.442695020e+00, v3  }
0x81: {  	(erf) = vrcp.f32 v4  }
0x82: {  	(erf) = vpow2.f32 v3;
	_ =	sdelay $0x4  }
0x83: {  	v3 =	vld.idx.msk [tilespmem:v1+s12+$0x0], $0xffff;
	_ =	sdelay $0x2  }
0x84: {  	v4 =	vpop (erf)  }
0x85: {  	v5 =	vadd.s32 $0x2710, v1;
	v6 =	vpop (erf)  }
0x86: {  	v4 =	vmul.f32 v6, v4;
	_ =	sdelay $0x1  }
0x87: {  	v3 =	vmul.f32 v4, v3;
	_ =	sdelay $0x1  }
0x88: {  	[tilespmem:v2+s16+$0x0] =	vst.idx.add.f32.msk $0xffff, v3  }
0x89: {  	v3 =	vld.idx.msk [tilespmem:v5+s12+$0x0], $0xffff;
	_ =	sdelay $0x1  }
0x8a: {  	v5 =	vadd.s32 $0x2710, v2  }
0x8b: {  	v6 =	vadd.s32 $0x4E20, v1;
	_ =	sdelay $0x2  }
0x8c: {  	v3 =	vmul.f32 v4, v3;
	_ =	sdelay $0x1  }
0x8d: {  	[tilespmem:v5+s16+$0x0] =	vst.idx.add.f32.msk $0xffff, v3  }
0x8e: {  	v3 =	vld.idx.msk [tilespmem:v6+s12+$0x0], $0xffff;
	_ =	sdelay $0x1  }
0x8f: {  	v5 =	vadd.s32 $0x4E20, v2  }
0x90: {  	v1 =	vadd.s32 $0x7530, v1;
	_ =	sdelay $0x2  }
0x91: {  	v3 =	vmul.f32 v4, v3;
	_ =	sdelay $0x1  }
0x92: {  	[tilespmem:v5+s16+$0x0] =	vst.idx.add.f32.msk $0xffff, v3  }
0x93: {  	v3 =	vld.idx.msk [tilespmem:v1+s12+$0x0], $0xffff;
	_ =	sdelay $0x1  }
.Ltmp3:
0x94: {  	v1 =	vadd.s32 $0x7530, v2;
	(pc) =	sbr.rel @p0 .LBB2_9-.Ltmp3, $2  }
0x95: {  	_ =	sdelay $0x2  }
0x96: {  	v2 =	vmul.f32 v3, v4  }
0x97: {  	s19 =	sadd.s32 $0x1, s19  }
0x98: {  	p0 =	sne.s32 s19, $0xA0  }
.Ltmp4:
0x99: {  	_ = 	snop;
	(pc) =	sbr.rel @p0 .LBB2_8-.Ltmp4, $2  }
0x9a: {  	_ =	sdelay $0x2  }
0x9b: {  	[tilespmem:v1+s16+$0x0] =	vst.idx.add.f32.msk $0xffff, v2  }
0x9c: {  	s17 =	sadd.s32 $0x1, s17  }
0x9d: {  	p0 =	sne.s32 s17, s9  }
.Ltmp5:
0x9e: {  	_ = 	snop;
	(pc) =	sbr.rel @p0 .LBB2_1-.Ltmp5, $4  }
0x9f: {  	[hbm4b:s8+s2] =	stream.linear.scatter [tilespmem:s16], [sflag:$0x1], $0x9C40, $0x38;
	[tilespmem:$0x1BD50] =	vst v63  }
0xa0: {  	_ =	swait.ge [sflag:s10], $0x9C40  }
0xa1: {  	[sflag:s10] =	ssyncset.done $0x0  }
0xa2: {  	[sflag:s10] =	ssyncadd.s32 $0xFFFF63C0  }
0xa3: {  	_ =	sfence.sel $0x180000  }
0xa4: {  	[bflag:$0x0] =	sbarrier.arrive $0xFFFF  }
0xa5: {  	p0 =	sne.s32 s1, $0x0;
	_ =	strace $0x9000004A  }
0xa6: {  	s0 =	sadd.s32 @!p0 $0x100000, s0;
	[bflag:$0x2] =	sbarrier.arrive $0xFFFF  }
0xa7: {  	[sflag:s0] =	ssyncadd.tile.s32 @!p0 $0x1;
	_ =	shalt  }
.Lfunc_end2:
_tile_overlayer_lowered:
.L_overlay_start_2:
0xa8: {  	(tag) =	ssettag $0x2  }
0xa9: {  	s0 =	rddreg [dreg:$0x0];
	s2 =	stileid.u32  }
0xaa: {  	s1 =	rddreg [dreg:$0x1];
	p0 =	sne.s32 s2, $0x0  }
0xab: {  	s3 =	rddreg [dreg:$0x2];
	[bflag:$0x3] =	sbarrier.arrive $0xFFFF;
	s2 =	simm.s32 @!p0 $0x1C01  }
0xac: {  	[timem:s3], [sflag:s2] =	dma.local @!p0 [hbm:s0], s1  }
0xad: {  	s0 =	simm.s32 @!p0 $0x1  }
0xae: {  	_ =	swait.ge @!p0 [sflag:s0], s1  }
0xaf: {  	s1 =	ssub.s32 @!p0 $0x0, s1;
	[sflag:s0] =	ssyncset.done @!p0 $0x0  }
0xb0: {  	[sflag:s0] =	ssyncadd.s32 @!p0 s1  }
0xb1: {  	[bflag:$0x3] =	sbarrier.arrive $0xFFFF  }
0xb2: {  	_ =	shalt  }

// kernel: kernel.7.cloned.1.call-start
scs
__scs_entry_jumppad:
0x0: {  	(pc) =	sbr.rel $0x88, $3  }
0x1: {  	(tag) =	ssettag $0x0;
	lr =	simm.s32 $0x1  }
0x2: {  	[smem:$0x3F87] =	sst lr;
	_ =	strace $0xD0000000  }
0x3: {  	_ = 	snop  }
0x4: {  	_ = 	snop  }
0x5: {  	_ = 	snop  }
0x6: {  	_ = 	snop  }
0x7: {  	_ = 	snop  }
__scs_overlays_trampoline_lowered:
0x8: {  	[smem:$0x3F96] =	sst s0  }
0x9: {  	[smem:$0x3F97] =	sst s1  }
0xa: {  	[smem:$0x3F98] =	sst s2  }
0xb: {  	[smem:$0x3F99] =	sst s3  }
0xc: {  	[smem:$0x3F9A] =	sst s4  }
0xd: {  	[smem:$0x3F9B] =	sst s5  }
0xe: {  	[smem:$0x3F9C] =	sst s6  }
0xf: {  	[smem:$0x3F9D] =	sst s7  }
0x10: {  	[smem:$0x3F9E] =	sst s8  }
0x11: {  	[smem:$0x3F9F] =	sst s9;
	s0 =	simm.s32 @!p0 $0x0  }
0x12: {  	s1 =	sld [smem:$0x3F85];
	s0 =	simm.s32 @p0 $0x1  }
0x13: {  	[smem:$0x3FA0] =	sst s0;
	s0 =	simm.s32 @!p1 $0x0  }
0x14: {  	s2 =	sld [smem:$0x3F84];
	s0 =	simm.s32 @p1 $0x1  }
0x15: {  	[smem:$0x3FA1] =	sst s0;
	s0 =	simm.s32 @!p2 $0x0  }
0x16: {  	s3 =	sld [smem:$0x3FDB];
	s0 =	simm.s32 @p2 $0x1  }
0x17: {  	s4 =	simm.s32 $0x1BF5;
	[smem:$0x3FA3] =	sst s0  }
0x18: {  	s0 =	sld [smem:$0x3F86];
	_ =	swait.ge [sflag:s4], $0x0  }
0x19: {  	s7 =	sld [smem:$0x3F87]  }
0x1a: {  	s8 =	sadd.s32 $0xFFFFE003, lr  }
0x1b: {  	s9 =	sadd.s32 $0xFFFFFEF7, lr;
	s5 =	simm.s32 $0xFFFFFFFF;
	p2 =	slt.u32 s8, $0xFFFFF086  }
0x1c: {  	p1 =	slt.u32 s9, $0xF7A;
	s5 =	simm.s32 @!p2 $0x0  }
0x1d: {  	s5 =	simm.s32 @p1 $0x1;
	p0 =	seq.s32 s7, s2  }
0x1e: {  	s7 =	smul.u32 @!p0 $0xF7A, s2;
	p2 =	seq.s32 @!p0 s5, $0x0  }
0x1f: {  	s9 =	smul.u32 $0xF7A, s1;
	s8 =	simm.s32 @!p0 $0x1BF5;
	p2 =	por !p2, p0  }
0x20: {  	[sflag:s8] =	ssyncset.s32 @!p0 $0xFFFFF086;
	s6 =	sadd.s32 @!p0 s3, s7;
	s7 =	simm.s32 @!p0 $0x108  }
0x21: {  	s3 =	sadd.s32 s3, s9;
	s6 =	sadd.s32 @!p0 $0x88, s6;
	s7 =	simm.s32 @p2 $0x1082  }
0x22: {  	[simem:s7], [sflag:s8] =	dma.local @!p0 [hbm:s6], $0xF7A  }
0x23: {  	s9 =	sor.u32 $0xD0000000, s2;
	s6 =	simm.s32 $0x108;
	_ =	swait.ge @!p0 [sflag:s8], $0x0  }
0x24: {  	s3 =	sadd.s32 $0x88, s3;
	s6 =	simm.s32 @!p1 $0x1082;
	[sflag:s4] =	ssyncset.s32 $0xFFFFF086  }
0x25: {  	[simem:s6], [sflag:s4] =	dma.local [hbm:s3], $0xF7A  }
0x26: {  	[smem:$0x3F87] =	sst s1;
	(tag) =	ssettag s2;
	_ =	strace s9  }
0x27: {  	s1 =	sld [smem:$0x3F97]  }
0x28: {  	s2 =	sld [smem:$0x3F98]  }
0x29: {  	s4 =	sld [smem:$0x3F9A]  }
0x2a: {  	p0 =	seq.s32 s5, $0x0;
	s5 =	sld [smem:$0x3F9B]  }
0x2b: {  	s6 =	sld [smem:$0x3F9C]  }
0x2c: {  	s7 =	sld [smem:$0x3F9D]  }
0x2d: {  	s3 =	simm.s32 $0x108;
	s8 =	sld [smem:$0x3F9E]  }
0x2e: {  	s3 =	simm.s32 @!p0 $0x1082;
	s9 =	sld [smem:$0x3F9F]  }
0x2f: {  	lr =	sadd.s32 s0, s3;
	s0 =	sld [smem:$0x3F96]  }
0x30: {  	s3 =	sld [smem:$0x3F99]  }
0x31: {  	[smem:$0x3FA2] =	sst s10  }
0x32: {  	s10 =	sld [smem:$0x3FA0];
	_ =	sdelay $0x3  }
0x33: {  	p0 =	seq.s32 s10, $0x1;
	s10 =	sld [smem:$0x3FA2];
	_ =	sdelay $0x3  }
0x34: {  	[smem:$0x3FA2] =	sst s10  }
0x35: {  	s10 =	sld [smem:$0x3FA1];
	_ =	sdelay $0x3  }
0x36: {  	p1 =	seq.s32 s10, $0x1;
	s10 =	sld [smem:$0x3FA2];
	_ =	sdelay $0x3  }
0x37: {  	[smem:$0x3FA2] =	sst s10  }
0x38: {  	s10 =	sld [smem:$0x3FA3]  }
0x39: {  	_ = 	snop;
	(pc) =	sbr.ind lr, $3  }
0x3a: {  	_ = 	snop  }
0x3b: {  	_ = 	snop  }
0x3c: {  	p2 =	seq.s32 s10, $0x1;
	s10 =	sld [smem:$0x3FA2]  }
0x3d: {  	_ =	shalt  }
0x3e: {  	_ =	shalt  }
0x3f: {  	_ =	shalt  }
0x40: {  	_ =	shalt  }
0x41: {  	_ =	shalt  }
0x42: {  	_ =	shalt  }
0x43: {  	_ =	shalt  }
0x44: {  	_ =	shalt  }
0x45: {  	_ =	shalt  }
0x46: {  	_ =	shalt  }
0x47: {  	_ =	shalt  }
0x48: {  	_ =	shalt  }
0x49: {  	_ =	shalt  }
0x4a: {  	_ =	shalt  }
0x4b: {  	_ =	shalt  }
0x4c: {  	_ =	shalt  }
0x4d: {  	_ =	shalt  }
0x4e: {  	_ =	shalt  }
0x4f: {  	_ =	shalt  }
0x50: {  	_ =	shalt  }
0x51: {  	_ =	shalt  }
0x52: {  	_ =	shalt  }
0x53: {  	_ =	shalt  }
0x54: {  	_ =	shalt  }
0x55: {  	_ =	shalt  }
0x56: {  	_ =	shalt  }
0x57: {  	_ =	shalt  }
0x58: {  	_ =	shalt  }
0x59: {  	_ =	shalt  }
0x5a: {  	_ =	shalt  }
0x5b: {  	_ =	shalt  }
0x5c: {  	_ =	shalt  }
0x5d: {  	_ =	shalt  }
0x5e: {  	_ =	shalt  }
0x5f: {  	_ =	shalt  }
0x60: {  	_ =	shalt  }
0x61: {  	_ =	shalt  }
0x62: {  	_ =	shalt  }
0x63: {  	_ =	shalt  }
0x64: {  	_ =	shalt  }
0x65: {  	_ =	shalt  }
0x66: {  	_ =	shalt  }
0x67: {  	_ =	shalt  }
0x68: {  	_ =	shalt  }
0x69: {  	_ =	shalt  }
0x6a: {  	_ =	shalt  }
0x6b: {  	_ =	shalt  }
0x6c: {  	_ =	shalt  }
0x6d: {  	_ =	shalt  }
0x6e: {  	_ =	shalt  }
0x6f: {  	_ =	shalt  }
0x70: {  	_ =	shalt  }
0x71: {  	_ =	shalt  }
0x72: {  	_ =	shalt  }
0x73: {  	_ =	shalt  }
0x74: {  	_ =	shalt  }
0x75: {  	_ =	shalt  }
0x76: {  	_ =	shalt  }
0x77: {  	_ =	shalt  }
0x78: {  	_ =	shalt  }
0x79: {  	_ =	shalt  }
0x7a: {  	_ =	shalt  }
0x7b: {  	_ =	shalt  }
0x7c: {  	_ =	shalt  }
0x7d: {  	_ =	shalt  }
0x7e: {  	_ =	shalt  }
0x7f: {  	_ =	shalt  }
0x80: {  	_ =	shalt  }
0x81: {  	_ =	shalt  }
0x82: {  	_ =	shalt  }
0x83: {  	_ =	shalt  }
0x84: {  	_ =	shalt  }
0x85: {  	_ =	shalt  }
0x86: {  	_ =	shalt  }
0x87: {  	_ =	shalt  }
.Lfunc_end0:
.L_simem_size_0:
called_computation_lowered:
.L_overlay_start_0:
0x88: {  	s2 =	sld [smem:$0x3FD9]  }
0x89: {  	s3 =	sld [smem:$0x3FFE];
	_ =	sdelay $0x1  }
0x8a: {  	s1 =	srdreg.scid  }
0x8b: {  	s0 =	sand.u32 $0x1, s1  }
0x8c: {  	s16 =	sshll.u32 s0, $0xA;
	s2 =	sadd.s32 s3, s2  }
0x8d: {  	s2 =	sadd.s32 s2, s16  }
0x8e: {  	[smem:$0x3FAE] =	sst s2  }
0x8f: {  	_ = 	snop  }
0x90: {  	(tm) =	ssettm $0x1  }
0x91: {  	s17 =	sld [smem:$0x3FFB];
	_ =	sdelay $0x3  }
0x92: {  	_ =	strace s17  }
0x93: {  	s2 =	sld [smem:$0x3FFC];
	_ =	sdelay $0x3  }
0x94: {  	_ =	strace s2  }
0x95: {  	s2 =	sld [smem:$0x3FFD];
	_ =	sdelay $0x3  }
0x96: {  	_ =	strace s2  }
0x97: {  	_ =	strace $0x8FFFFFFF  }
0x98: {  	s18 =	sld [smem:$0x3FDB];
	_ =	sdelay $0x1  }
0x99: {  	s19 =	simm.s32 $_scs_section_size  }
0x9a: {  	s4 =	simm.s32 $_size__tile_overlayer_lowered;
	s5 =	simm.s32 $_tile_overlayer_lowered  }
0x9b: {  	s22 =	simm.s32 $0x1BFF;
	s21 =	sshll.u32 s5, $0x1;
	s2 =	sadd.s32 s19, s18  }
0x9c: {  	s6 =	simm.s32 $0x0;
	s20 =	sshll.u32 s4, $0x1;
	s4 =	sadd.s32 s21, s2  }
0x9d: {  	[timem:s6], [sflag:s22] =	dma.local [hbm:s4], s20  }
0x9e: {  	_ =	swait.ge [sflag:s22], s20  }
0x9f: {  	s3 =	ssub.s32 $0x0, s20;
	[sflag:s22] =	ssyncset.done $0x0  }
0xa0: {  	[sflag:s22] =	ssyncadd.s32 s3;
	_ =	sdelay $0x1  }
0xa1: {  	s23 =	simm.s32 $0x1B8B  }
0xa2: {  	_ =	swait.ge [sflag:s23], $0x1  }
0xa3: {  	[sflag:s23] =	ssyncset.done $0x0  }
0xa4: {  	s25 =	simm.s32 $0x1B8E;
	s24 =	sld [smem:$0x3FFE];
	[sflag:s23] =	ssyncadd.s32 $0xFFFFFFFF  }
0xa5: {  	s26 =	simm.s32 $execute0_lowered;
	[smem:$0x3FD2] =	sst s25  }
0xa6: {  	s4 =	sshll.u32 s26, $0x1;
	_ =	strace $0x80000046;
	[dreg:$0x1] =	wrdreg $0xFFFFFFFF  }
0xa7: {  	s28 =	simm.s32 $_size_execute0_lowered;
	s2 =	sadd.s32 s2, s4;
	[dreg:$0x0] =	wrdreg $0x0  }
0xa8: {  	s4 =	sshll.u32 s28, $0x1;
	[dreg:$0x2] =	wrdreg s2  }
0xa9: {  	[dreg:$0x3] =	wrdreg s4  }
0xaa: {  	[dreg:$0x4] =	wrdreg $0xC0  }
0xab: {  	_ =	task [dreg:s6], $0x5FFFF  }
0xac: {  	[dreg:$0x1] =	wrdreg $0xFFFFFFFF  }
0xad: {  	[dreg:$0x0] =	wrdreg $0x60  }
0xae: {  	[dreg:$0x2] =	wrdreg s24  }
0xaf: {  	[dreg:$0x3] =	wrdreg $0x9  }
0xb0: {  	_ =	task.clear_ibuf [dreg:s6], $0x4FFFF;
	_ =	strace $0x90000046  }
0xb1: {  	s29 =	simm.s32 $0x9;
	_ =	strace $0x80000048  }
0xb2: {  	_ =	swait.ge [sflag:s29], $0x1  }
0xb3: {  	[sflag:s29] =	ssyncadd.s32 $0xFFFFFFFF  }
0xb4: {  	_ =	strace $0x90000048  }
0xb5: {  	_ =	sfence  }
0xb6: {  	s30 =	sld [smem:$0x0];
	_ =	sdelay $0x2  }
0xb7: {  	s31 =	sshll.u32 s1, $0xD;
	s1 =	sshrl.u32 s1, $0x2  }
0xb8: {  	s3 =	sand.u32 $0x4000, s31;
	s1 =	sadd.s32 s1, s30  }
0xb9: {  	s0 =	sor.u32 s3, s0;
	s1 =	sshll.u32 s1, $0x11  }
0xba: {  	s0 =	sor.u32 s1, s0  }
0xbb: {  	s0 =	sadd.s32 $0x8F2B, s0  }
0xbc: {  	[sflag:s0] =	ssyncadd.remote.s32 $0x1  }
0xbd: {  	_ =	sfence.sel $0xFFFF  }
0xbe: {  	[dreg:$0x0] =	wrdreg $0xFFFFFFFF;
	(pc) =	sbr.abs _section_cstart, $3  }
0xbf: {  	[dreg:$0x1] =	wrdreg $0xFFFFFFFF  }
0xc0: {  	_ =	task.clear_ibuf [dreg:s6], $0x2FFFF;
	_ =	strace $0x9FFFFFFF  }
0xc1: {  	(tm) =	ssettm $0x7FFFFFFF  }
tec
execute0_lowered:
.L_overlay_start_1:
0x0: {  	(tag) =	ssettag $0x1  }
0x1: {  	s7 =	rddreg [dreg:$0x0];
	s2 =	srdreg.scid  }
0x2: {  	s0 =	rddreg [dreg:$0x1];
	s1 =	stileid.u32  }
0x3: {  	s10 =	simm.s32 $0x1;
	s11 =	simm.s32 $0x2710;
	s12 =	simm.s32 $0x7530  }
0x4: {  	s13 =	simm.s32 $0x1ADB0;
	s14 =	simm.s32 $0x1B580;
	s15 =	simm.s32 $0x4E20  }
0x5: {  	s16 =	simm.s32 $0x11170;
	s17 =	simm.s32 $0x0;
	s6 =	sand.u32 $0x1, s2  }
0x6: {  	s2 =	simm.s32 $0x0;
	s3 =	sshll.u32 s1, $0x3;
	s4 =	sshll.u32 s6, $0x2  }
0x7: {  	s5 =	sadd.s32 $0x34400, s7;
	[smem:$0x7FF] =	sst s2;
	s4 =	sor.u32 s4, s3  }
0x8: {  	s9 =	ssub.s32 $0x2, s6;
	s6 =	sadd.s32 $0x2A600, s7;
	s8 =	smul.u32 $0x4E2, s4  }
0x9: {  	_ =	strace $0x80000047;
	s3 =	sadd.s32 $0x29A00, s7;
	s31 =	sshrl.u32 s9, $0x1  }
0xa: {  	s4 =	sadd.s32 $0x2A000, s7;
	s9 =	ssub.s32 s9, s31;
	s8 =	sadd.s32 s8, s7  }
0xb: {  	v0 =	vimm.f32 $0.0e+00;
	s9 =	smax.u32 s9, $0x1;
	s7 =	sadd.s32 $0x2800, s8;
	s8 =	sadd.s32 $0x3E200, s8  }
.LBB2_1:
0xc: {  	[tilespmem:s2], [sflag:$0x1] =	stream.linear.gather [hbm4b:s3+s2], $0x2710, $0x38;
	[tilespmem:$0x1BD50] =	vst v63  }
0xd: {  	_ =	swait.ge [sflag:s10], $0x2710  }
0xe: {  	[sflag:s10] =	ssyncset.done $0x0  }
0xf: {  	[sflag:s10] =	ssyncadd.s32 $0xFFFFD8F0  }
0x10: {  	[tilespmem:s11], [sflag:$0x1] =	stream.linear.gather [hbm4b:s4+s2], $0x2710, $0x38;
	[tilespmem:$0x1BD50] =	vst v63  }
0x11: {  	_ =	swait.ge [sflag:s10], $0x2710  }
0x12: {  	[sflag:s10] =	ssyncset.done $0x0  }
0x13: {  	[sflag:s10] =	ssyncadd.s32 $0xFFFFD8F0  }
0x14: {  	[tilespmem:s12], [sflag:$0x1] =	stream.linear.gather [hbm4b:s7+s2], $0x9C40, $0x38;
	[tilespmem:$0x1BD50] =	vst v63  }
0x15: {  	_ =	swait.ge [sflag:s10], $0x9C40  }
0x16: {  	[sflag:s10] =	ssyncset.done $0x0  }
0x17: {  	s19 =	simm.s32 $0x40;
	s18 =	simm.s32 $0x0;
	[sflag:s10] =	ssyncadd.s32 $0xFFFF63C0  }
.LBB2_2:
0x18: {  	p0 =	sne.s32 s19, $0x9C00;
	[tilespmem:s18+$0x186A0] =	vst v0;
	s20 =	smov.u32 s19;
	s19 =	sadd.s32 $0x40, s19  }
.Ltmp0:
0x19: {  	[tilespmem:s18+$0x15F90] =	vst v0;
	(pc) =	sbr.rel @p0 .LBB2_2-.Ltmp0, $4  }
0x1a: {  	[tilespmem:s18+$0x13880] =	vst v0  }
0x1b: {  	[tilespmem:s18+$0x4E20] =	vst v0  }
0x1c: {  	[tilespmem:s18+$0x11170] =	vst v0  }
0x1d: {  	s18 =	sshra.s32 s20, $0x2  }
0x1e: {  	[tilespmem:s18+$0x186A0] =	vst v0  }
0x1f: {  	[tilespmem:s18+$0x15F90] =	vst v0  }
0x20: {  	[tilespmem:s18+$0x13880] =	vst v0  }
0x21: {  	[tilespmem:s18+$0x4E20] =	vst v0  }
0x22: {  	s19 =	simm.s32 $0x0;
	[tilespmem:s18+$0x11170] =	vst v0;
	s20 =	simm.s32 $0x0  }
.LBB2_4:
0x23: {  	s18 =	smul.u32 $0xFA, s20;
	_ =	sdelay $0x1  }
0x24: {  	s21 =	sadd.s32 s5, s18  }
0x25: {  	[tilespmem:s13], [sflag:$0x1] =	stream.linear.gather [hbm4b:s21+s19], $0x7D0, $0x38;
	[tilespmem:$0x1BD50] =	vst v63  }
0x26: {  	_ =	swait.ge [sflag:s10], $0x7D0  }
0x27: {  	[sflag:s10] =	ssyncset.done $0x0  }
0x28: {  	s18 =	sadd.s32 s6, s18;
	[sflag:s10] =	ssyncadd.s32 $0xFFFFF830  }
0x29: {  	[tilespmem:s14], [sflag:$0x1] =	stream.linear.gather [hbm4b:s18+s19], $0x7D0, $0x38;
	[tilespmem:$0x1BD50] =	vst v63  }
0x2a: {  	_ =	swait.ge [sflag:s10], $0x7D0  }
0x2b: {  	[sflag:s10] =	ssyncset.done $0x0  }
0x2c: {  	s21 =	simm.s32 $0x0;
	[sflag:s10] =	ssyncadd.s32 $0xFFFFF830  }
0x2d: {  	s18 =	simm.s32 $0x40;
	v1 =	vld [tilespmem:s21+$0x1B580]  }
.LBB2_5:
0x2e: {  	p0 =	sne.s32 s18, $0x1F00;
	v2 =	vld [tilespmem:s21+$0x1ADB0];
	_ =	sdelay $0x6  }
0x2f: {  	v3 =	vld.idx.msk [tilespmem:v1+s11+$0x0], $0xffff  }
0x30: {  	v2 =	vld.idx.msk [tilespmem:v2+s2+$0x0], $0xffff;
	_ =	sdelay $0x5  }
0x31: {  	v2 =	vadd.f32 v3, v2;
	_ =	sdelay $0x1  }
0x32: {  	v3 =	vmul.f32 $2.000000030e-01, v2  }
0x33: {  	vm0 =	vge.f32 v2, $0.0e+00  }
0x34: {  	v2 =	vsel vm0, v2, v3  }
0x35: {  	v2 =	vmul.f32 $1.442695020e+00, v2;
	_ =	sdelay $0x1  }
0x36: {  	(erf) = vpow2.f32 v2;
	_ =	sdelay $0x6  }
.Ltmp1:
0x37: {  	(pc) =	sbr.rel @p0 .LBB2_5-.Ltmp1, $4  }
0x38: {  	_ = 	snop  }
0x39: {  	v2 =	vpop (erf)  }
0x3a: {  	s21 =	sshra.s32 s18, $0x2;
	[tilespmem:v1+s15+$0x0] =	vst.idx.add.f32.msk $0xffff, v2  }
0x3b: {  	s18 =	sadd.s32 $0x40, s18;
	v1 =	vld [tilespmem:s21+$0x1B580]  }
0x3c: {  	_ = 	snop  }
0x3d: {  	v2 =	vld [tilespmem:s21+$0x1ADB0];
	_ =	sdelay $0x6  }
0x3e: {  	v3 =	vld.idx.msk [tilespmem:v1+s11+$0x0], $0xffff  }
0x3f: {  	v2 =	vld.idx.msk [tilespmem:v2+s2+$0x0], $0xffff;
	_ =	sdelay $0x4  }
0x40: {  	v2 =	vadd.f32 v3, v2;
	_ =	sdelay $0x1  }
0x41: {  	v3 =	vmul.f32 $2.000000030e-01, v2  }
0x42: {  	vm0 =	vge.f32 v2, $0.0e+00  }
0x43: {  	v2 =	vsel vm0, v2, v3  }
0x44: {  	v2 =	vmul.f32 $1.442695020e+00, v2;
	_ =	sdelay $0x1  }
0x45: {  	(erf) = vpow2.f32 v2;
	_ =	sdelay $0x3  }
0x46: {  	s20 =	sadd.s32 $0x1, s20  }
0x47: {  	p0 =	sne.s32 s20, $0xA0  }
.Ltmp2:
0x48: {  	_ = 	snop;
	(pc) =	sbr.rel @p0 .LBB2_4-.Ltmp2, $3  }
0x49: {  	_ =	sdelay $0x1  }
0x4a: {  	v2 =	vpop (erf)  }
0x4b: {  	s18 =	simm.s32 $0x0;
	[tilespmem:v1+s15+$0x0] =	vst.idx.add.f32.msk $0xffff, v2  }
0x4c: {  	s19 =	simm.s32 $0x0  }
.LBB2_8:
0x4d: {  	s20 =	smul.u32 $0xFA, s19;
	_ =	sdelay $0x1  }
0x4e: {  	s21 =	sadd.s32 s5, s20  }
0x4f: {  	[tilespmem:s13], [sflag:$0x1] =	stream.linear.gather [hbm4b:s21+s18], $0x7D0, $0x38;
	[tilespmem:$0x1BD50] =	vst v63  }
0x50: {  	_ =	swait.ge [sflag:s10], $0x7D0  }
0x51: {  	[sflag:s10] =	ssyncset.done $0x0  }
0x52: {  	s20 =	sadd.s32 s6, s20;
	[sflag:s10] =	ssyncadd.s32 $0xFFFFF830  }
0x53: {  	[tilespmem:s14], [sflag:$0x1] =	stream.linear.gather [hbm4b:s20+s18], $0x7D0, $0x38;
	[tilespmem:$0x1BD50] =	vst v63  }
0x54: {  	_ =	swait.ge [sflag:s10], $0x7D0  }
0x55: {  	[sflag:s10] =	ssyncset.done $0x0  }
0x56: {  	s31 =	simm.s32 $0x0;
	[sflag:s10] =	ssyncadd.s32 $0xFFFFF830  }
0x57: {  	v1 =	vld [tilespmem:s31+$0x1ADB0]  }
0x58: {  	v2 =	vld [tilespmem:s31+$0x1B580];
	_ =	sdelay $0x6  }
0x59: {  	v3 =	vld.idx.msk [tilespmem:v1+s2+$0x0], $0xffff  }
0x5a: {  	v4 =	vld.idx.msk [tilespmem:v2+s11+$0x0], $0xffff;
	_ =	sdelay $0x3  }
0x5b: {  	v5 =	vld.idx.msk [tilespmem:v2+s15+$0x0], $0xffff  }
0x5c: {  	v3 =	vadd.f32 v4, v3;
	_ =	sdelay $0x1  }
0x5d: {  	v4 =	vmul.f32 $2.000000030e-01, v3  }
0x5e: {  	vm0 =	vge.f32 v3, $0.0e+00  }
0x5f: {  	v59 =	vadd.f32 $1.000000020e-16, v5;
	v3 =	vsel vm0, v3, v4  }
0x60: {  	v3 =	vmul.f32 $1.442695020e+00, v3  }
0x61: {  	(erf) = vrcp.f32 v59  }
0x62: {  	(erf) = vpow2.f32 v3;
	_ =	sdelay $0x6  }
0x63: {  	v3 =	vld.idx.msk [tilespmem:v1+s12+$0x0], $0xffff  }
0x64: {  	v4 =	vpop (erf)  }
0x65: {  	v60 =	vpop (erf)  }
0x66: {  	v6 =	vadd.s32 $0x2710, v1;
	v4 =	vmul.f32 v60, v4;
	_ =	sdelay $0x1  }
0x67: {  	v3 =	vmul.f32 v4, v3;
	_ =	sdelay $0x1  }
0x68: {  	[tilespmem:v2+s16+$0x0] =	vst.idx.add.f32.msk $0xffff, v3  }
0x69: {  	v3 =	vld.idx.msk [tilespmem:v6+s12+$0x0], $0xffff;
	_ =	sdelay $0x1  }
0x6a: {  	v61 =	vadd.s32 $0x2710, v2  }
0x6b: {  	v62 =	vadd.s32 $0x4E20, v1;
	_ =	sdelay $0x1  }
0x6c: {  	v3 =	vmul.f32 v4, v3;
	_ =	sdelay $0x1  }
0x6d: {  	[tilespmem:v61+s16+$0x0] =	vst.idx.add.f32.msk $0xffff, v3  }
0x6e: {  	v3 =	vld.idx.msk [tilespmem:v62+s12+$0x0], $0xffff;
	_ =	sdelay $0x1  }
0x6f: {  	v63 =	vadd.s32 $0x4E20, v2  }
0x70: {  	v1 =	vadd.s32 $0x7530, v1;
	_ =	sdelay $0x1  }
0x71: {  	v3 =	vmul.f32 v4, v3;
	_ =	sdelay $0x1  }
0x72: {  	[tilespmem:v63+s16+$0x0] =	vst.idx.add.f32.msk $0xffff, v3  }
0x73: {  	v3 =	vld.idx.msk [tilespmem:v1+s12+$0x0], $0xffff;
	_ =	sdelay $0x1  }
0x74: {  	v1 =	vadd.s32 $0x7530, v2;
	_ =	sdelay $0x2  }
0x75: {  	s20 =	simm.s32 $0x40;
	v2 =	vmul.f32 v3, v4  }
.LBB2_9:
0x76: {  	p0 =	sne.s32 s20, $0x1F00;
	s21 =	smov.u32 s20;
	s20 =	sadd.s32 $0x40, s20  }
0x77: {  	s21 =	sshra.s32 s21, $0x2;
	[tilespmem:v1+s16+$0x0] =	vst.idx.add.f32.msk $0xffff, v2  }
0x78: {  	v1 =	vld [tilespmem:s21+$0x1ADB0]  }
0x79: {  	v2 =	vld [tilespmem:s21+$0x1B580];
	_ =	sdelay $0x6  }
0x7a: {  	v3 =	vld.idx.msk [tilespmem:v1+s2+$0x0], $0xffff  }
0x7b: {  	v4 =	vld.idx.msk [tilespmem:v2+s11+$0x0], $0xffff;
	_ =	sdelay $0x3  }
0x7c: {  	v5 =	vld.idx.msk [tilespmem:v2+s15+$0x0], $0xffff;
	_ =	sdelay $0x1  }
0x7d: {  	v3 =	vadd.f32 v4, v3;
	_ =	sdelay $0x1  }
0x7e: {  	vm0 =	vge.f32 v3, $0.0e+00;
	v4 =	vmul.f32 $2.000000030e-01, v3;
	_ =	sdelay $0x1  }
0x7f: {  	v3 =	vsel vm0, v3, v4;
	v4 =	vadd.f32 $1.000000020e-16, v5  }
0x80: {  	v3 =	vmul.f32 $1.442695020e+00, v3  }
0x81: {  	(erf) = vrcp.f32 v4  }
0x82: {  	(erf) = vpow2.f32 v3;
	_ =	sdelay $0x4  }
0x83: {  	v3 =	vld.idx.msk [tilespmem:v1+s12+$0x0], $0xffff;
	_ =	sdelay $0x2  }
0x84: {  	v4 =	vpop (erf)  }
0x85: {  	v5 =	vadd.s32 $0x2710, v1;
	v6 =	vpop (erf)  }
0x86: {  	v4 =	vmul.f32 v6, v4;
	_ =	sdelay $0x1  }
0x87: {  	v3 =	vmul.f32 v4, v3;
	_ =	sdelay $0x1  }
0x88: {  	[tilespmem:v2+s16+$0x0] =	vst.idx.add.f32.msk $0xffff, v3  }
0x89: {  	v3 =	vld.idx.msk [tilespmem:v5+s12+$0x0], $0xffff;
	_ =	sdelay $0x1  }
0x8a: {  	v5 =	vadd.s32 $0x2710, v2  }
0x8b: {  	v6 =	vadd.s32 $0x4E20, v1;
	_ =	sdelay $0x2  }
0x8c: {  	v3 =	vmul.f32 v4, v3;
	_ =	sdelay $0x1  }
0x8d: {  	[tilespmem:v5+s16+$0x0] =	vst.idx.add.f32.msk $0xffff, v3  }
0x8e: {  	v3 =	vld.idx.msk [tilespmem:v6+s12+$0x0], $0xffff;
	_ =	sdelay $0x1  }
0x8f: {  	v5 =	vadd.s32 $0x4E20, v2  }
0x90: {  	v1 =	vadd.s32 $0x7530, v1;
	_ =	sdelay $0x2  }
0x91: {  	v3 =	vmul.f32 v4, v3;
	_ =	sdelay $0x1  }
0x92: {  	[tilespmem:v5+s16+$0x0] =	vst.idx.add.f32.msk $0xffff, v3  }
0x93: {  	v3 =	vld.idx.msk [tilespmem:v1+s12+$0x0], $0xffff;
	_ =	sdelay $0x1  }
.Ltmp3:
0x94: {  	v1 =	vadd.s32 $0x7530, v2;
	(pc) =	sbr.rel @p0 .LBB2_9-.Ltmp3, $2  }
0x95: {  	_ =	sdelay $0x2  }
0x96: {  	v2 =	vmul.f32 v3, v4  }
0x97: {  	s19 =	sadd.s32 $0x1, s19  }
0x98: {  	p0 =	sne.s32 s19, $0xA0  }
.Ltmp4:
0x99: {  	_ = 	snop;
	(pc) =	sbr.rel @p0 .LBB2_8-.Ltmp4, $2  }
0x9a: {  	_ =	sdelay $0x2  }
0x9b: {  	[tilespmem:v1+s16+$0x0] =	vst.idx.add.f32.msk $0xffff, v2  }
0x9c: {  	s17 =	sadd.s32 $0x1, s17  }
0x9d: {  	p0 =	sne.s32 s17, s9  }
.Ltmp5:
0x9e: {  	_ = 	snop;
	(pc) =	sbr.rel @p0 .LBB2_1-.Ltmp5, $4  }
0x9f: {  	[hbm4b:s8+s2] =	stream.linear.scatter [tilespmem:s16], [sflag:$0x1], $0x9C40, $0x38;
	[tilespmem:$0x1BD50] =	vst v63  }
0xa0: {  	_ =	swait.ge [sflag:s10], $0x9C40  }
0xa1: {  	[sflag:s10] =	ssyncset.done $0x0  }
0xa2: {  	[sflag:s10] =	ssyncadd.s32 $0xFFFF63C0  }
0xa3: {  	_ =	sfence.sel $0x180000  }
0xa4: {  	[bflag:$0x0] =	sbarrier.arrive $0xFFFF  }
0xa5: {  	p0 =	sne.s32 s1, $0x0;
	_ =	strace $0x90000047  }
0xa6: {  	s0 =	sadd.s32 @!p0 $0x100000, s0;
	[bflag:$0x2] =	sbarrier.arrive $0xFFFF  }
0xa7: {  	[sflag:s0] =	ssyncadd.tile.s32 @!p0 $0x1;
	_ =	shalt  }
.Lfunc_end2:
_tile_overlayer_lowered:
.L_overlay_start_2:
0xa8: {  	(tag) =	ssettag $0x2  }
0xa9: {  	s0 =	rddreg [dreg:$0x0];
	s2 =	stileid.u32  }
0xaa: {  	s1 =	rddreg [dreg:$0x1];
	p0 =	sne.s32 s2, $0x0  }
0xab: {  	s3 =	rddreg [dreg:$0x2];
	[bflag:$0x3] =	sbarrier.arrive $0xFFFF;
	s2 =	simm.s32 @!p0 $0x1C01  }
0xac: {  	[timem:s3], [sflag:s2] =	dma.local @!p0 [hbm:s0], s1  }
0xad: {  	s0 =	simm.s32 @!p0 $0x1  }
0xae: {  	_ =	swait.ge @!p0 [sflag:s0], s1  }
0xaf: {  	s1 =	ssub.s32 @!p0 $0x0, s1;
	[sflag:s0] =	ssyncset.done @!p0 $0x0  }
0xb0: {  	[sflag:s0] =	ssyncadd.s32 @!p0 s1  }
0xb1: {  	[bflag:$0x3] =	sbarrier.arrive $0xFFFF  }
0xb2: {  	_ =	shalt  }

</sc_bundles>
